<compile_context>
chip_gen: v7x
topology: tpu7x:2x2x1
jax: 0.10.2.dev20260603
libtpu: 0.0.44.dev20260713+nightly
codegen_flags: <defaults>
</compile_context>

<pallas_src>
import functools

import jax
import jax.numpy as jnp
from jax import lax
from jax.experimental import pallas as pl
from jax.experimental.pallas import tpu as pltpu
from jax.experimental.pallas import tpu_sc as plsc

VOCAB = 1000000
DIM = 64
B = 4096
L = 200
NLAB = 1000

NC = 2
NS = 16
NW = NC * NS
DOCS_PER_TILE = B // NW
TOK_PER_TILE = DOCS_PER_TILE * L
WDIM = 2 * DIM

CH0 = 128
CH1 = L - CH0


def _sc_segsum(doc_flat, table):
    mesh = plsc.VectorSubcoreMesh(core_axis_name="c", subcore_axis_name="s")

    @functools.partial(
        pl.kernel,
        mesh=mesh,
        out_type=jax.ShapeDtypeStruct((B * DIM,), jnp.float32),
        compiler_params=pltpu.CompilerParams(use_tc_tiling_on_sc=False),
        scratch_types=[
            pltpu.VMEM((TOK_PER_TILE + 16,), jnp.int32),
            pltpu.VMEM((4, L, DIM), jnp.float32),
            pltpu.VMEM((DOCS_PER_TILE * DIM,), jnp.float32),
        ] + [pltpu.SemaphoreType.DMA] * 4,
    )
    def segsum(doc_hbm, tab_hbm, out_hbm, idx_v, rows_v, acc_v, *sems):
        wid = lax.axis_index("s") * NC + lax.axis_index("c")
        base = wid * TOK_PER_TILE

        pltpu.sync_copy(doc_hbm.at[pl.ds(base, TOK_PER_TILE)],
                        idx_v.at[pl.ds(0, TOK_PER_TILE)])

        def gathers(b, buf):
            sem = sems[buf]
            return (
                pltpu.make_async_copy(
                    tab_hbm.at[idx_v.at[pl.ds(b * L, CH0)]],
                    rows_v.at[buf, pl.ds(0, CH0)], sem),
                pltpu.make_async_copy(
                    tab_hbm.at[idx_v.at[pl.ds(b * L + CH0, CH1)]],
                    rows_v.at[buf, pl.ds(CH0, CH1)], sem),
            )

        def issue(b, buf):
            for g in gathers(b, buf):
                g.start()

        def drain(b, buf):
            for g in gathers(b, buf):
                g.wait()

        issue(0, 0)
        issue(1, 1)
        issue(2, 2)

        def per_doc(bb, _):
            for phase in range(4):
                b = 4 * bb + phase
                buf = phase

                @pl.when(b + 3 < DOCS_PER_TILE)
                def _prefetch():
                    issue(b + 3, (phase + 3) % 4)

                drain(b, buf)

                zero = jnp.zeros((16,), jnp.float32)

                def tok(t, accs):
                    new = []
                    for d in range(4):
                        new.append(accs[d] + rows_v[buf, t, pl.ds(16 * d, 16)])
                    return tuple(new)

                accs = lax.fori_loop(0, L, tok, (zero,) * 4)
                for d in range(4):
                    acc_v[pl.ds(b * DIM + 16 * d, 16)] = accs[d]
            return _

        lax.fori_loop(0, DOCS_PER_TILE // 4, per_doc, 0)
        pltpu.sync_copy(
            acc_v,
            out_hbm.at[pl.ds(wid * DOCS_PER_TILE * DIM, DOCS_PER_TILE * DIM)])

    return segsum(doc_flat, table)


def _tc_body(acc_ref, doc_ref, row0_ref, wd_ref, bd_ref, out_ref):
    npad = jnp.sum((doc_ref[...] == 0).astype(jnp.float32), axis=1,
                   keepdims=True)
    cnt = jnp.maximum(float(L) - npad, 1.0)
    enc = (acc_ref[...] - npad * row0_ref[...]) / cnt
    out_ref[...] = jnp.dot(enc, wd_ref[...],
                           preferred_element_type=jnp.float32) + bd_ref[...]


def _tc_decode(acc, doc, row0, Wd, bd2):
    bm = 512
    grid = B // bm
    return pl.pallas_call(
        _tc_body,
        grid=(grid,),
        in_specs=[
            pl.BlockSpec((bm, DIM), lambda i: (i, 0)),
            pl.BlockSpec((bm, L), lambda i: (i, 0)),
            pl.BlockSpec((1, DIM), lambda i: (0, 0)),
            pl.BlockSpec((DIM, NLAB), lambda i: (0, 0)),
            pl.BlockSpec((1, NLAB), lambda i: (0, 0)),
        ],
        out_specs=pl.BlockSpec((bm, NLAB), lambda i: (i, 0)),
        out_shape=jax.ShapeDtypeStruct((B, NLAB), jnp.float32),
    )(acc, doc, row0, Wd, bd2)


def kernel(doc, table, Wd, bd):
    acc_flat = _sc_segsum(doc.reshape(B * L), table)
    acc = acc_flat.reshape(B, DIM)
    row0 = lax.slice(table, (0, 0), (1, DIM))
    return _tc_decode(acc, doc, row0, Wd, bd.reshape(1, NLAB))

# --- scband reference (transcript-rebuilt; emitter-appended) ---
"""Pipeline reference for scband-e2-emlcmodel-37744172597839 (READ-ONLY COPY).

The authoritative reference and input builder live on the scoring server;
editing this copy changes nothing except your own understanding.
"""

import jax, jax.numpy as jnp
import numpy as np

VOCAB = 1000000
DIM = 64
B = 4096
L = 200
NLAB = 1000
PAD_IDX = 0


def setup_inputs(seed: int = 0) -> dict:
    key = jax.random.key(seed)
    k1, k2, k3 = jax.random.split(key, 3)
    doc = jax.random.randint(k1, (B, L), 0, VOCAB, dtype=jnp.int32)
    table = jax.random.normal(k2, (VOCAB, DIM), dtype=jnp.float32) * 0.02
    Wd = jax.random.normal(k3, (DIM, NLAB), dtype=jnp.float32) * 0.02
    bd = jnp.zeros((NLAB,), dtype=jnp.float32)
    return {"doc": doc, "table": table, "Wd": Wd, "bd": bd}


def reference(doc, table, Wd, bd):
    # Embedding lookup with padding_idx semantics (pad row contributes zeros)
    tbl = table.at[PAD_IDX].set(0.0)
    doc_emb = jnp.take(tbl, doc, axis=0)  # [B, L, D]
    # Encoder: masked mean pooling over sequence, returns (enc,) -> take [0]
    mask = (doc != PAD_IDX).astype(doc_emb.dtype)[..., None]  # [B, L, 1]
    enc = (doc_emb * mask).sum(axis=1) / jnp.maximum(mask.sum(axis=1), 1.0)  # [B, D]
    # Decoder: linear projection to label logits
    logits = enc @ Wd + bd  # [B, NLAB]
    return logits

if __name__ == "__main__":
    import jax
    _d = setup_inputs()
    print(jax.jit(kernel)(*tuple(_d.values())))

</pallas_src>

<mosaic_0001>
#map = affine_map<(d0, d1) -> (0)>
#map1 = affine_map<(d0, d1) -> (0, 0)>
module attributes {stable_mosaic.version = 14 : i64} {
  func.func @segsum(%arg0: i32, %arg1: i32, %arg2: memref<819200xi32, #tpu.memory_space<hbm>>, %arg3: memref<1000000x64xf32, #tpu.memory_space<hbm>>, %arg4: memref<262144xf32, #tpu.memory_space<hbm>>, %arg5: memref<25616xi32, #tpu.memory_space<vmem>>, %arg6: memref<4x200x64xf32, #tpu.memory_space<vmem>>, %arg7: memref<8192xf32, #tpu.memory_space<vmem>>, %arg8: memref<!tpu.dma_semaphore, #tpu.memory_space<semaphore_mem>>, %arg9: memref<!tpu.dma_semaphore, #tpu.memory_space<semaphore_mem>>, %arg10: memref<!tpu.dma_semaphore, #tpu.memory_space<semaphore_mem>>, %arg11: memref<!tpu.dma_semaphore, #tpu.memory_space<semaphore_mem>>) attributes {dimension_semantics = [#tpu.dimension_semantics<core_parallel>, #tpu.dimension_semantics<subcore_parallel>], iteration_bounds = array<i64: 2, 16>, scalar_prefetch = 0 : i64, scratch_operands = 7 : i64, tpu.core_type = #tpu.core_type<sc_vector_subcore>, window_params = [{transform_indices = #map}, {transform_indices = #map1}, {transform_indices = #map}]} {
    %mul3A = arith.constant 2 : i32
    %mul3A_0 = arith.muli %arg1, %mul3A : i32
    %add3A = arith.addi %mul3A_0, %arg0 : i32
    %mul3A_1 = arith.constant 25600 : i32
    %mul3A_2 = arith.muli %add3A, %mul3A_1 : i32
    "tpu.region"() ({
      %run_scoped3A = tpu.sem_alloc : memref<!tpu.dma_semaphore, #tpu.memory_space<semaphore_mem>>
      %dma_start3A_71 = arith.constant 0 : i32
      %dma_start3A_72 = tpu.memref_slice %arg5[%dma_start3A_71] : memref<25616xi32, #tpu.memory_space<vmem>> -> memref<25600xi32, #tpu.memory_space<vmem>>
      %dma_start3A_73 = tpu.memref_slice %arg2[%mul3A_2] : memref<819200xi32, #tpu.memory_space<hbm>> -> memref<25600xi32, #tpu.memory_space<hbm>>
      %dma_start3A_74 = arith.constant 0 : i32
      %dma_start3A_75 = tpu.memref_slice %arg5[%dma_start3A_74] : memref<25616xi32, #tpu.memory_space<vmem>> -> memref<25600xi32, #tpu.memory_space<vmem>>
      %dma_start3A_76 = tpu.memref_slice %arg2[%mul3A_2] : memref<819200xi32, #tpu.memory_space<hbm>> -> memref<25600xi32, #tpu.memory_space<hbm>>
      tpu.enqueue_dma source(%dma_start3A_76 : memref<25600xi32, #tpu.memory_space<hbm>>) target(%dma_start3A_75 : memref<25600xi32, #tpu.memory_space<vmem>>) target_semaphore(%run_scoped3A : memref<!tpu.dma_semaphore, #tpu.memory_space<semaphore_mem>>)
      %dma_wait3A = arith.constant 0 : i32
      %dma_wait3A_77 = tpu.memref_slice %arg5[%dma_wait3A] : memref<25616xi32, #tpu.memory_space<vmem>> -> memref<25600xi32, #tpu.memory_space<vmem>>
      %dma_wait3A_78 = tpu.memref_slice %arg2[%mul3A_2] : memref<819200xi32, #tpu.memory_space<hbm>> -> memref<25600xi32, #tpu.memory_space<hbm>>
      %dma_wait3A_79 = arith.constant 0 : i32
      %dma_wait3A_80 = tpu.memref_slice %arg5[%dma_wait3A_79] : memref<25616xi32, #tpu.memory_space<vmem>> -> memref<25600xi32, #tpu.memory_space<vmem>>
      %dma_wait3A_81 = tpu.memref_slice %arg2[%mul3A_2] : memref<819200xi32, #tpu.memory_space<hbm>> -> memref<25600xi32, #tpu.memory_space<hbm>>
      tpu.wait_dma2 semaphore(%run_scoped3A : memref<!tpu.dma_semaphore, #tpu.memory_space<semaphore_mem>>) src(%dma_wait3A_81 : memref<25600xi32, #tpu.memory_space<hbm>>) dst(%dma_wait3A_80 : memref<25600xi32, #tpu.memory_space<vmem>>)
      tpu.yield
    }) : () -> ()
    %dma_start3A = arith.constant 0 : i32
    %dma_start3A_3 = arith.constant 0 : i32
    %dma_start3A_4 = arith.constant 0 : i32
    %dma_start3A_5 = tpu.memref_slice %arg6[%dma_start3A, %dma_start3A_3, %dma_start3A_4] : memref<4x200x64xf32, #tpu.memory_space<vmem>> -> memref<1x128x64xf32, #tpu.memory_space<vmem>>
    %dma_start3A_6 = tpu.memref_squeeze %dma_start3A_5 : memref<1x128x64xf32, #tpu.memory_space<vmem>> -> memref<128x64xf32, #tpu.memory_space<vmem>>
    %dma_start3A_7 = arith.constant 0 : i32
    %dma_start3A_8 = tpu.memref_slice %arg5[%dma_start3A_7] : memref<25616xi32, #tpu.memory_space<vmem>> -> memref<128xi32, #tpu.memory_space<vmem>>
    %dma_start3A_9 = arith.constant 0 : i32
    %dma_start3A_10 = arith.constant 0 : i32
    %dma_start3A_11 = tpu.memref_slice %arg3[%dma_start3A_9, %dma_start3A_10] : memref<1000000x64xf32, #tpu.memory_space<hbm>> -> memref<1000000x64xf32, #tpu.memory_space<hbm>>
    tpu.enqueue_indirect_dma source(%dma_start3A_11 : memref<1000000x64xf32, #tpu.memory_space<hbm>>) target(%dma_start3A_6 : memref<128x64xf32, #tpu.memory_space<vmem>>) offsets(%dma_start3A_8 : memref<128xi32, #tpu.memory_space<vmem>>) semaphore(%arg8 : memref<!tpu.dma_semaphore, #tpu.memory_space<semaphore_mem>>)
    %dma_start3A_12 = arith.constant 0 : i32
    %dma_start3A_13 = arith.constant 128 : i32
    %dma_start3A_14 = arith.constant 0 : i32
    %dma_start3A_15 = tpu.memref_slice %arg6[%dma_start3A_12, %dma_start3A_13, %dma_start3A_14] : memref<4x200x64xf32, #tpu.memory_space<vmem>> -> memref<1x72x64xf32, #tpu.memory_space<vmem>>
    %dma_start3A_16 = tpu.memref_squeeze %dma_start3A_15 : memref<1x72x64xf32, #tpu.memory_space<vmem>> -> memref<72x64xf32, #tpu.memory_space<vmem>>
    %dma_start3A_17 = arith.constant 128 : i32
    %dma_start3A_18 = tpu.memref_slice %arg5[%dma_start3A_17] : memref<25616xi32, #tpu.memory_space<vmem>> -> memref<72xi32, #tpu.memory_space<vmem>>
    %dma_start3A_19 = arith.constant 0 : i32
    %dma_start3A_20 = arith.constant 0 : i32
    %dma_start3A_21 = tpu.memref_slice %arg3[%dma_start3A_19, %dma_start3A_20] : memref<1000000x64xf32, #tpu.memory_space<hbm>> -> memref<1000000x64xf32, #tpu.memory_space<hbm>>
    tpu.enqueue_indirect_dma source(%dma_start3A_21 : memref<1000000x64xf32, #tpu.memory_space<hbm>>) target(%dma_start3A_16 : memref<72x64xf32, #tpu.memory_space<vmem>>) offsets(%dma_start3A_18 : memref<72xi32, #tpu.memory_space<vmem>>) semaphore(%arg8 : memref<!tpu.dma_semaphore, #tpu.memory_space<semaphore_mem>>)
    %dma_start3A_22 = arith.constant 1 : i32
    %dma_start3A_23 = arith.constant 0 : i32
    %dma_start3A_24 = arith.constant 0 : i32
    %dma_start3A_25 = tpu.memref_slice %arg6[%dma_start3A_22, %dma_start3A_23, %dma_start3A_24] : memref<4x200x64xf32, #tpu.memory_space<vmem>> -> memref<1x128x64xf32, #tpu.memory_space<vmem>>
    %dma_start3A_26 = tpu.memref_squeeze %dma_start3A_25 : memref<1x128x64xf32, #tpu.memory_space<vmem>> -> memref<128x64xf32, #tpu.memory_space<vmem>>
    %dma_start3A_27 = arith.constant 200 : i32
    %dma_start3A_28 = tpu.memref_slice %arg5[%dma_start3A_27] : memref<25616xi32, #tpu.memory_space<vmem>> -> memref<128xi32, #tpu.memory_space<vmem>>
    %dma_start3A_29 = arith.constant 0 : i32
    %dma_start3A_30 = arith.constant 0 : i32
    %dma_start3A_31 = tpu.memref_slice %arg3[%dma_start3A_29, %dma_start3A_30] : memref<1000000x64xf32, #tpu.memory_space<hbm>> -> memref<1000000x64xf32, #tpu.memory_space<hbm>>
    tpu.enqueue_indirect_dma source(%dma_start3A_31 : memref<1000000x64xf32, #tpu.memory_space<hbm>>) target(%dma_start3A_26 : memref<128x64xf32, #tpu.memory_space<vmem>>) offsets(%dma_start3A_28 : memref<128xi32, #tpu.memory_space<vmem>>) semaphore(%arg9 : memref<!tpu.dma_semaphore, #tpu.memory_space<semaphore_mem>>)
    %dma_start3A_32 = arith.constant 1 : i32
    %dma_start3A_33 = arith.constant 128 : i32
    %dma_start3A_34 = arith.constant 0 : i32
    %dma_start3A_35 = tpu.memref_slice %arg6[%dma_start3A_32, %dma_start3A_33, %dma_start3A_34] : memref<4x200x64xf32, #tpu.memory_space<vmem>> -> memref<1x72x64xf32, #tpu.memory_space<vmem>>
    %dma_start3A_36 = tpu.memref_squeeze %dma_start3A_35 : memref<1x72x64xf32, #tpu.memory_space<vmem>> -> memref<72x64xf32, #tpu.memory_space<vmem>>
    %dma_start3A_37 = arith.constant 328 : i32
    %dma_start3A_38 = tpu.memref_slice %arg5[%dma_start3A_37] : memref<25616xi32, #tpu.memory_space<vmem>> -> memref<72xi32, #tpu.memory_space<vmem>>
    %dma_start3A_39 = arith.constant 0 : i32
    %dma_start3A_40 = arith.constant 0 : i32
    %dma_start3A_41 = tpu.memref_slice %arg3[%dma_start3A_39, %dma_start3A_40] : memref<1000000x64xf32, #tpu.memory_space<hbm>> -> memref<1000000x64xf32, #tpu.memory_space<hbm>>
    tpu.enqueue_indirect_dma source(%dma_start3A_41 : memref<1000000x64xf32, #tpu.memory_space<hbm>>) target(%dma_start3A_36 : memref<72x64xf32, #tpu.memory_space<vmem>>) offsets(%dma_start3A_38 : memref<72xi32, #tpu.memory_space<vmem>>) semaphore(%arg9 : memref<!tpu.dma_semaphore, #tpu.memory_space<semaphore_mem>>)
    %dma_start3A_42 = arith.constant 2 : i32
    %dma_start3A_43 = arith.constant 0 : i32
    %dma_start3A_44 = arith.constant 0 : i32
    %dma_start3A_45 = tpu.memref_slice %arg6[%dma_start3A_42, %dma_start3A_43, %dma_start3A_44] : memref<4x200x64xf32, #tpu.memory_space<vmem>> -> memref<1x128x64xf32, #tpu.memory_space<vmem>>
    %dma_start3A_46 = tpu.memref_squeeze %dma_start3A_45 : memref<1x128x64xf32, #tpu.memory_space<vmem>> -> memref<128x64xf32, #tpu.memory_space<vmem>>
    %dma_start3A_47 = arith.constant 400 : i32
    %dma_start3A_48 = tpu.memref_slice %arg5[%dma_start3A_47] : memref<25616xi32, #tpu.memory_space<vmem>> -> memref<128xi32, #tpu.memory_space<vmem>>
    %dma_start3A_49 = arith.constant 0 : i32
    %dma_start3A_50 = arith.constant 0 : i32
    %dma_start3A_51 = tpu.memref_slice %arg3[%dma_start3A_49, %dma_start3A_50] : memref<1000000x64xf32, #tpu.memory_space<hbm>> -> memref<1000000x64xf32, #tpu.memory_space<hbm>>
    tpu.enqueue_indirect_dma source(%dma_start3A_51 : memref<1000000x64xf32, #tpu.memory_space<hbm>>) target(%dma_start3A_46 : memref<128x64xf32, #tpu.memory_space<vmem>>) offsets(%dma_start3A_48 : memref<128xi32, #tpu.memory_space<vmem>>) semaphore(%arg10 : memref<!tpu.dma_semaphore, #tpu.memory_space<semaphore_mem>>)
    %dma_start3A_52 = arith.constant 2 : i32
    %dma_start3A_53 = arith.constant 128 : i32
    %dma_start3A_54 = arith.constant 0 : i32
    %dma_start3A_55 = tpu.memref_slice %arg6[%dma_start3A_52, %dma_start3A_53, %dma_start3A_54] : memref<4x200x64xf32, #tpu.memory_space<vmem>> -> memref<1x72x64xf32, #tpu.memory_space<vmem>>
    %dma_start3A_56 = tpu.memref_squeeze %dma_start3A_55 : memref<1x72x64xf32, #tpu.memory_space<vmem>> -> memref<72x64xf32, #tpu.memory_space<vmem>>
    %dma_start3A_57 = arith.constant 528 : i32
    %dma_start3A_58 = tpu.memref_slice %arg5[%dma_start3A_57] : memref<25616xi32, #tpu.memory_space<vmem>> -> memref<72xi32, #tpu.memory_space<vmem>>
    %dma_start3A_59 = arith.constant 0 : i32
    %dma_start3A_60 = arith.constant 0 : i32
    %dma_start3A_61 = tpu.memref_slice %arg3[%dma_start3A_59, %dma_start3A_60] : memref<1000000x64xf32, #tpu.memory_space<hbm>> -> memref<1000000x64xf32, #tpu.memory_space<hbm>>
    tpu.enqueue_indirect_dma source(%dma_start3A_61 : memref<1000000x64xf32, #tpu.memory_space<hbm>>) target(%dma_start3A_56 : memref<72x64xf32, #tpu.memory_space<vmem>>) offsets(%dma_start3A_58 : memref<72xi32, #tpu.memory_space<vmem>>) semaphore(%arg10 : memref<!tpu.dma_semaphore, #tpu.memory_space<semaphore_mem>>)
    %scan3A = arith.constant 0 : i32
    %scan3A_62 = arith.constant 0 : i32
    %scan3A_63 = arith.constant 32 : i32
    %scan3A_64 = arith.addi %scan3A_62, %scan3A_63 : i32
    %scan3A_65 = arith.constant 1 : i32
    scf.for %scan3A_71 = %scan3A_62 to %scan3A_64 step %scan3A_65  : i32 {
      %mul3A_72 = arith.constant 4 : i32
      %mul3A_73 = arith.muli %mul3A_72, %scan3A_71 : i32
      %add3A_74 = arith.constant 0 : i32
      %add3A_75 = arith.addi %mul3A_73, %add3A_74 : i32
      %add3A_76 = arith.constant 3 : i32
      %add3A_77 = arith.addi %add3A_75, %add3A_76 : i32
      %lt3A = arith.constant 128 : i32
      %lt3A_78 = arith.cmpi slt, %add3A_77, %lt3A : i32
      %convert_element_type3A = arith.extui %lt3A_78 : i1 to i32
      %cond3A = arith.constant 0 : i32
      %cond3A_79 = arith.cmpi ne, %convert_element_type3A, %cond3A : i32
      scf.if %cond3A_79 {
        %add3A_366 = arith.constant 3 : i32
        %add3A_367 = arith.addi %add3A_75, %add3A_366 : i32
        %mul3A_368 = arith.constant 200 : i32
        %mul3A_369 = arith.muli %add3A_367, %mul3A_368 : i32
        %mul3A_370 = arith.constant 200 : i32
        %mul3A_371 = arith.muli %add3A_367, %mul3A_370 : i32
        %add3A_372 = arith.constant 128 : i32
        %add3A_373 = arith.addi %mul3A_371, %add3A_372 : i32
        %dma_start3A_374 = arith.constant 3 : i32
        %dma_start3A_375 = arith.constant 0 : i32
        %dma_start3A_376 = arith.constant 0 : i32
        %dma_start3A_377 = tpu.memref_slice %arg6[%dma_start3A_374, %dma_start3A_375, %dma_start3A_376] : memref<4x200x64xf32, #tpu.memory_space<vmem>> -> memref<1x128x64xf32, #tpu.memory_space<vmem>>
        %dma_start3A_378 = tpu.memref_squeeze %dma_start3A_377 : memref<1x128x64xf32, #tpu.memory_space<vmem>> -> memref<128x64xf32, #tpu.memory_space<vmem>>
        %dma_start3A_379 = tpu.memref_slice %arg5[%mul3A_369] : memref<25616xi32, #tpu.memory_space<vmem>> -> memref<128xi32, #tpu.memory_space<vmem>>
        %dma_start3A_380 = arith.constant 0 : i32
        %dma_start3A_381 = arith.constant 0 : i32
        %dma_start3A_382 = tpu.memref_slice %arg3[%dma_start3A_380, %dma_start3A_381] : memref<1000000x64xf32, #tpu.memory_space<hbm>> -> memref<1000000x64xf32, #tpu.memory_space<hbm>>
        tpu.enqueue_indirect_dma source(%dma_start3A_382 : memref<1000000x64xf32, #tpu.memory_space<hbm>>) target(%dma_start3A_378 : memref<128x64xf32, #tpu.memory_space<vmem>>) offsets(%dma_start3A_379 : memref<128xi32, #tpu.memory_space<vmem>>) semaphore(%arg11 : memref<!tpu.dma_semaphore, #tpu.memory_space<semaphore_mem>>)
        %dma_start3A_383 = arith.constant 3 : i32
        %dma_start3A_384 = arith.constant 128 : i32
        %dma_start3A_385 = arith.constant 0 : i32
        %dma_start3A_386 = tpu.memref_slice %arg6[%dma_start3A_383, %dma_start3A_384, %dma_start3A_385] : memref<4x200x64xf32, #tpu.memory_space<vmem>> -> memref<1x72x64xf32, #tpu.memory_space<vmem>>
        %dma_start3A_387 = tpu.memref_squeeze %dma_start3A_386 : memref<1x72x64xf32, #tpu.memory_space<vmem>> -> memref<72x64xf32, #tpu.memory_space<vmem>>
        %dma_start3A_388 = tpu.memref_slice %arg5[%add3A_373] : memref<25616xi32, #tpu.memory_space<vmem>> -> memref<72xi32, #tpu.memory_space<vmem>>
        %dma_start3A_389 = arith.constant 0 : i32
        %dma_start3A_390 = arith.constant 0 : i32
        %dma_start3A_391 = tpu.memref_slice %arg3[%dma_start3A_389, %dma_start3A_390] : memref<1000000x64xf32, #tpu.memory_space<hbm>> -> memref<1000000x64xf32, #tpu.memory_space<hbm>>
        tpu.enqueue_indirect_dma source(%dma_start3A_391 : memref<1000000x64xf32, #tpu.memory_space<hbm>>) target(%dma_start3A_387 : memref<72x64xf32, #tpu.memory_space<vmem>>) offsets(%dma_start3A_388 : memref<72xi32, #tpu.memory_space<vmem>>) semaphore(%arg11 : memref<!tpu.dma_semaphore, #tpu.memory_space<semaphore_mem>>)
      } else {
      }
      %mul3A_80 = arith.constant 200 : i32
      %mul3A_81 = arith.muli %add3A_75, %mul3A_80 : i32
      %mul3A_82 = arith.constant 200 : i32
      %mul3A_83 = arith.muli %add3A_75, %mul3A_82 : i32
      %add3A_84 = arith.constant 128 : i32
      %add3A_85 = arith.addi %mul3A_83, %add3A_84 : i32
      %dma_wait3A = arith.constant 0 : i32
      %dma_wait3A_86 = arith.constant 0 : i32
      %dma_wait3A_87 = arith.constant 0 : i32
      %dma_wait3A_88 = tpu.memref_slice %arg6[%dma_wait3A, %dma_wait3A_86, %dma_wait3A_87] : memref<4x200x64xf32, #tpu.memory_space<vmem>> -> memref<1x128x64xf32, #tpu.memory_space<vmem>>
      %dma_wait3A_89 = tpu.memref_squeeze %dma_wait3A_88 : memref<1x128x64xf32, #tpu.memory_space<vmem>> -> memref<128x64xf32, #tpu.memory_space<vmem>>
      %dma_wait3A_90 = tpu.memref_slice %arg5[%mul3A_81] : memref<25616xi32, #tpu.memory_space<vmem>> -> memref<128xi32, #tpu.memory_space<vmem>>
      %dma_wait3A_91 = arith.constant 0 : i32
      %dma_wait3A_92 = arith.constant 0 : i32
      %dma_wait3A_93 = tpu.memref_slice %arg3[%dma_wait3A_91, %dma_wait3A_92] : memref<1000000x64xf32, #tpu.memory_space<hbm>> -> memref<1000000x64xf32, #tpu.memory_space<hbm>>
      tpu.wait_indirect_dma semaphore(%arg8 : memref<!tpu.dma_semaphore, #tpu.memory_space<semaphore_mem>>) src(%dma_wait3A_93 : memref<1000000x64xf32, #tpu.memory_space<hbm>>) dst(%dma_wait3A_89 : memref<128x64xf32, #tpu.memory_space<vmem>>)
      %dma_wait3A_94 = arith.constant 0 : i32
      %dma_wait3A_95 = arith.constant 128 : i32
      %dma_wait3A_96 = arith.constant 0 : i32
      %dma_wait3A_97 = tpu.memref_slice %arg6[%dma_wait3A_94, %dma_wait3A_95, %dma_wait3A_96] : memref<4x200x64xf32, #tpu.memory_space<vmem>> -> memref<1x72x64xf32, #tpu.memory_space<vmem>>
      %dma_wait3A_98 = tpu.memref_squeeze %dma_wait3A_97 : memref<1x72x64xf32, #tpu.memory_space<vmem>> -> memref<72x64xf32, #tpu.memory_space<vmem>>
      %dma_wait3A_99 = tpu.memref_slice %arg5[%add3A_85] : memref<25616xi32, #tpu.memory_space<vmem>> -> memref<72xi32, #tpu.memory_space<vmem>>
      %dma_wait3A_100 = arith.constant 0 : i32
      %dma_wait3A_101 = arith.constant 0 : i32
      %dma_wait3A_102 = tpu.memref_slice %arg3[%dma_wait3A_100, %dma_wait3A_101] : memref<1000000x64xf32, #tpu.memory_space<hbm>> -> memref<1000000x64xf32, #tpu.memory_space<hbm>>
      tpu.wait_indirect_dma semaphore(%arg8 : memref<!tpu.dma_semaphore, #tpu.memory_space<semaphore_mem>>) src(%dma_wait3A_102 : memref<1000000x64xf32, #tpu.memory_space<hbm>>) dst(%dma_wait3A_98 : memref<72x64xf32, #tpu.memory_space<vmem>>)
      %broadcast_in_dim3A = arith.constant 0.000000e+00 : f32
      %broadcast_in_dim3A_103 = vector.broadcast %broadcast_in_dim3A : f32 to vector<16xf32>
      %scan3A_104 = arith.constant 0 : i32
      %scan3A_105 = arith.constant 200 : i32
      %scan3A_106 = arith.addi %scan3A_104, %scan3A_105 : i32
      %scan3A_107 = arith.constant 1 : i32
      %scan3A_108:4 = scf.for %scan3A_366 = %scan3A_104 to %scan3A_106 step %scan3A_107 iter_args(%scan3A_367 = %broadcast_in_dim3A_103, %scan3A_368 = %broadcast_in_dim3A_103, %scan3A_369 = %broadcast_in_dim3A_103, %scan3A_370 = %broadcast_in_dim3A_103) -> (vector<16xf32>, vector<16xf32>, vector<16xf32>, vector<16xf32>)  : i32 {
        %get3A = arith.constant 0 : i32
        %get3A_371 = arith.index_cast %get3A : i32 to index
        %get3A_372 = arith.index_cast %scan3A_366 : i32 to index
        %get3A_373 = arith.constant 0 : index
        %get3A_374 = tpu.vector_load %arg6[%get3A_371, %get3A_372, %get3A_373] {strides = array<i32>} : memref<4x200x64xf32, #tpu.memory_space<vmem>>, vector<1x1x16xf32>,
        %get3A_375 = vector.shape_cast %get3A_374 : vector<1x1x16xf32> to vector<16xf32>
        %add3A_376 = arith.addf %scan3A_367, %get3A_375 : vector<16xf32>
        %get3A_377 = arith.constant 0 : i32
        %get3A_378 = arith.index_cast %get3A_377 : i32 to index
        %get3A_379 = arith.index_cast %scan3A_366 : i32 to index
        %get3A_380 = arith.constant 16 : index
        %get3A_381 = tpu.vector_load %arg6[%get3A_378, %get3A_379, %get3A_380] {strides = array<i32>} : memref<4x200x64xf32, #tpu.memory_space<vmem>>, vector<1x1x16xf32>,
        %get3A_382 = vector.shape_cast %get3A_381 : vector<1x1x16xf32> to vector<16xf32>
        %add3A_383 = arith.addf %scan3A_368, %get3A_382 : vector<16xf32>
        %get3A_384 = arith.constant 0 : i32
        %get3A_385 = arith.index_cast %get3A_384 : i32 to index
        %get3A_386 = arith.index_cast %scan3A_366 : i32 to index
        %get3A_387 = arith.constant 32 : index
        %get3A_388 = tpu.vector_load %arg6[%get3A_385, %get3A_386, %get3A_387] {strides = array<i32>} : memref<4x200x64xf32, #tpu.memory_space<vmem>>, vector<1x1x16xf32>,
        %get3A_389 = vector.shape_cast %get3A_388 : vector<1x1x16xf32> to vector<16xf32>
        %add3A_390 = arith.addf %scan3A_369, %get3A_389 : vector<16xf32>
        %get3A_391 = arith.constant 0 : i32
        %get3A_392 = arith.index_cast %get3A_391 : i32 to index
        %get3A_393 = arith.index_cast %scan3A_366 : i32 to index
        %get3A_394 = arith.constant 48 : index
        %get3A_395 = tpu.vector_load %arg6[%get3A_392, %get3A_393, %get3A_394] {strides = array<i32>} : memref<4x200x64xf32, #tpu.memory_space<vmem>>, vector<1x1x16xf32>,
        %get3A_396 = vector.shape_cast %get3A_395 : vector<1x1x16xf32> to vector<16xf32>
        %add3A_397 = arith.addf %scan3A_370, %get3A_396 : vector<16xf32>
        scf.yield %add3A_376, %add3A_383, %add3A_390, %add3A_397 : vector<16xf32>, vector<16xf32>, vector<16xf32>, vector<16xf32>
      }
      %scan3A_109 = arith.constant 200 : i32
      %mul3A_110 = arith.constant 64 : i32
      %mul3A_111 = arith.muli %add3A_75, %mul3A_110 : i32
      %add3A_112 = arith.constant 0 : i32
      %add3A_113 = arith.addi %mul3A_111, %add3A_112 : i32
      %swap3A = arith.index_cast %add3A_113 : i32 to index
      %swap3A_114 = tpu.vector_load %arg7[%swap3A] {strides = array<i32>} : memref<8192xf32, #tpu.memory_space<vmem>>, vector<16xf32>,
      %swap3A_115 = vector.shape_cast %swap3A_114 : vector<16xf32> to vector<16xf32>
      %swap3A_116 = vector.shape_cast %scan3A_108#0 : vector<16xf32> to vector<16xf32>
      tpu.vector_store %arg7[%swap3A], %swap3A_116 {strides = array<i32>} : memref<8192xf32, #tpu.memory_space<vmem>>, vector<16xf32>,
      %mul3A_117 = arith.constant 64 : i32
      %mul3A_118 = arith.muli %add3A_75, %mul3A_117 : i32
      %add3A_119 = arith.constant 16 : i32
      %add3A_120 = arith.addi %mul3A_118, %add3A_119 : i32
      %swap3A_121 = arith.index_cast %add3A_120 : i32 to index
      %swap3A_122 = tpu.vector_load %arg7[%swap3A_121] {strides = array<i32>} : memref<8192xf32, #tpu.memory_space<vmem>>, vector<16xf32>,
      %swap3A_123 = vector.shape_cast %swap3A_122 : vector<16xf32> to vector<16xf32>
      %swap3A_124 = vector.shape_cast %scan3A_108#1 : vector<16xf32> to vector<16xf32>
      tpu.vector_store %arg7[%swap3A_121], %swap3A_124 {strides = array<i32>} : memref<8192xf32, #tpu.memory_space<vmem>>, vector<16xf32>,
      %mul3A_125 = arith.constant 64 : i32
      %mul3A_126 = arith.muli %add3A_75, %mul3A_125 : i32
      %add3A_127 = arith.constant 32 : i32
      %add3A_128 = arith.addi %mul3A_126, %add3A_127 : i32
      %swap3A_129 = arith.index_cast %add3A_128 : i32 to index
      %swap3A_130 = tpu.vector_load %arg7[%swap3A_129] {strides = array<i32>} : memref<8192xf32, #tpu.memory_space<vmem>>, vector<16xf32>,
      %swap3A_131 = vector.shape_cast %swap3A_130 : vector<16xf32> to vector<16xf32>
      %swap3A_132 = vector.shape_cast %scan3A_108#2 : vector<16xf32> to vector<16xf32>
      tpu.vector_store %arg7[%swap3A_129], %swap3A_132 {strides = array<i32>} : memref<8192xf32, #tpu.memory_space<vmem>>, vector<16xf32>,
      %mul3A_133 = arith.constant 64 : i32
      %mul3A_134 = arith.muli %add3A_75, %mul3A_133 : i32
      %add3A_135 = arith.constant 48 : i32
      %add3A_136 = arith.addi %mul3A_134, %add3A_135 : i32
      %swap3A_137 = arith.index_cast %add3A_136 : i32 to index
      %swap3A_138 = tpu.vector_load %arg7[%swap3A_137] {strides = array<i32>} : memref<8192xf32, #tpu.memory_space<vmem>>, vector<16xf32>,
      %swap3A_139 = vector.shape_cast %swap3A_138 : vector<16xf32> to vector<16xf32>
      %swap3A_140 = vector.shape_cast %scan3A_108#3 : vector<16xf32> to vector<16xf32>
      tpu.vector_store %arg7[%swap3A_137], %swap3A_140 {strides = array<i32>} : memref<8192xf32, #tpu.memory_space<vmem>>, vector<16xf32>,
      %mul3A_141 = arith.constant 4 : i32
      %mul3A_142 = arith.muli %mul3A_141, %scan3A_71 : i32
      %add3A_143 = arith.constant 1 : i32
      %add3A_144 = arith.addi %mul3A_142, %add3A_143 : i32
      %add3A_145 = arith.constant 3 : i32
      %add3A_146 = arith.addi %add3A_144, %add3A_145 : i32
      %lt3A_147 = arith.constant 128 : i32
      %lt3A_148 = arith.cmpi slt, %add3A_146, %lt3A_147 : i32
      %convert_element_type3A_149 = arith.extui %lt3A_148 : i1 to i32
      %cond3A_150 = arith.constant 0 : i32
      %cond3A_151 = arith.cmpi ne, %convert_element_type3A_149, %cond3A_150 : i32
      scf.if %cond3A_151 {
        %add3A_366 = arith.constant 3 : i32
        %add3A_367 = arith.addi %add3A_144, %add3A_366 : i32
        %mul3A_368 = arith.constant 200 : i32
        %mul3A_369 = arith.muli %add3A_367, %mul3A_368 : i32
        %mul3A_370 = arith.constant 200 : i32
        %mul3A_371 = arith.muli %add3A_367, %mul3A_370 : i32
        %add3A_372 = arith.constant 128 : i32
        %add3A_373 = arith.addi %mul3A_371, %add3A_372 : i32
        %dma_start3A_374 = arith.constant 0 : i32
        %dma_start3A_375 = arith.constant 0 : i32
        %dma_start3A_376 = arith.constant 0 : i32
        %dma_start3A_377 = tpu.memref_slice %arg6[%dma_start3A_374, %dma_start3A_375, %dma_start3A_376] : memref<4x200x64xf32, #tpu.memory_space<vmem>> -> memref<1x128x64xf32, #tpu.memory_space<vmem>>
        %dma_start3A_378 = tpu.memref_squeeze %dma_start3A_377 : memref<1x128x64xf32, #tpu.memory_space<vmem>> -> memref<128x64xf32, #tpu.memory_space<vmem>>
        %dma_start3A_379 = tpu.memref_slice %arg5[%mul3A_369] : memref<25616xi32, #tpu.memory_space<vmem>> -> memref<128xi32, #tpu.memory_space<vmem>>
        %dma_start3A_380 = arith.constant 0 : i32
        %dma_start3A_381 = arith.constant 0 : i32
        %dma_start3A_382 = tpu.memref_slice %arg3[%dma_start3A_380, %dma_start3A_381] : memref<1000000x64xf32, #tpu.memory_space<hbm>> -> memref<1000000x64xf32, #tpu.memory_space<hbm>>
        tpu.enqueue_indirect_dma source(%dma_start3A_382 : memref<1000000x64xf32, #tpu.memory_space<hbm>>) target(%dma_start3A_378 : memref<128x64xf32, #tpu.memory_space<vmem>>) offsets(%dma_start3A_379 : memref<128xi32, #tpu.memory_space<vmem>>) semaphore(%arg8 : memref<!tpu.dma_semaphore, #tpu.memory_space<semaphore_mem>>)
        %dma_start3A_383 = arith.constant 0 : i32
        %dma_start3A_384 = arith.constant 128 : i32
        %dma_start3A_385 = arith.constant 0 : i32
        %dma_start3A_386 = tpu.memref_slice %arg6[%dma_start3A_383, %dma_start3A_384, %dma_start3A_385] : memref<4x200x64xf32, #tpu.memory_space<vmem>> -> memref<1x72x64xf32, #tpu.memory_space<vmem>>
        %dma_start3A_387 = tpu.memref_squeeze %dma_start3A_386 : memref<1x72x64xf32, #tpu.memory_space<vmem>> -> memref<72x64xf32, #tpu.memory_space<vmem>>
        %dma_start3A_388 = tpu.memref_slice %arg5[%add3A_373] : memref<25616xi32, #tpu.memory_space<vmem>> -> memref<72xi32, #tpu.memory_space<vmem>>
        %dma_start3A_389 = arith.constant 0 : i32
        %dma_start3A_390 = arith.constant 0 : i32
        %dma_start3A_391 = tpu.memref_slice %arg3[%dma_start3A_389, %dma_start3A_390] : memref<1000000x64xf32, #tpu.memory_space<hbm>> -> memref<1000000x64xf32, #tpu.memory_space<hbm>>
        tpu.enqueue_indirect_dma source(%dma_start3A_391 : memref<1000000x64xf32, #tpu.memory_space<hbm>>) target(%dma_start3A_387 : memref<72x64xf32, #tpu.memory_space<vmem>>) offsets(%dma_start3A_388 : memref<72xi32, #tpu.memory_space<vmem>>) semaphore(%arg8 : memref<!tpu.dma_semaphore, #tpu.memory_space<semaphore_mem>>)
      } else {
      }
      %mul3A_152 = arith.constant 200 : i32
      %mul3A_153 = arith.muli %add3A_144, %mul3A_152 : i32
      %mul3A_154 = arith.constant 200 : i32
      %mul3A_155 = arith.muli %add3A_144, %mul3A_154 : i32
      %add3A_156 = arith.constant 128 : i32
      %add3A_157 = arith.addi %mul3A_155, %add3A_156 : i32
      %dma_wait3A_158 = arith.constant 1 : i32
      %dma_wait3A_159 = arith.constant 0 : i32
      %dma_wait3A_160 = arith.constant 0 : i32
      %dma_wait3A_161 = tpu.memref_slice %arg6[%dma_wait3A_158, %dma_wait3A_159, %dma_wait3A_160] : memref<4x200x64xf32, #tpu.memory_space<vmem>> -> memref<1x128x64xf32, #tpu.memory_space<vmem>>
      %dma_wait3A_162 = tpu.memref_squeeze %dma_wait3A_161 : memref<1x128x64xf32, #tpu.memory_space<vmem>> -> memref<128x64xf32, #tpu.memory_space<vmem>>
      %dma_wait3A_163 = tpu.memref_slice %arg5[%mul3A_153] : memref<25616xi32, #tpu.memory_space<vmem>> -> memref<128xi32, #tpu.memory_space<vmem>>
      %dma_wait3A_164 = arith.constant 0 : i32
      %dma_wait3A_165 = arith.constant 0 : i32
      %dma_wait3A_166 = tpu.memref_slice %arg3[%dma_wait3A_164, %dma_wait3A_165] : memref<1000000x64xf32, #tpu.memory_space<hbm>> -> memref<1000000x64xf32, #tpu.memory_space<hbm>>
      tpu.wait_indirect_dma semaphore(%arg9 : memref<!tpu.dma_semaphore, #tpu.memory_space<semaphore_mem>>) src(%dma_wait3A_166 : memref<1000000x64xf32, #tpu.memory_space<hbm>>) dst(%dma_wait3A_162 : memref<128x64xf32, #tpu.memory_space<vmem>>)
      %dma_wait3A_167 = arith.constant 1 : i32
      %dma_wait3A_168 = arith.constant 128 : i32
      %dma_wait3A_169 = arith.constant 0 : i32
      %dma_wait3A_170 = tpu.memref_slice %arg6[%dma_wait3A_167, %dma_wait3A_168, %dma_wait3A_169] : memref<4x200x64xf32, #tpu.memory_space<vmem>> -> memref<1x72x64xf32, #tpu.memory_space<vmem>>
      %dma_wait3A_171 = tpu.memref_squeeze %dma_wait3A_170 : memref<1x72x64xf32, #tpu.memory_space<vmem>> -> memref<72x64xf32, #tpu.memory_space<vmem>>
      %dma_wait3A_172 = tpu.memref_slice %arg5[%add3A_157] : memref<25616xi32, #tpu.memory_space<vmem>> -> memref<72xi32, #tpu.memory_space<vmem>>
      %dma_wait3A_173 = arith.constant 0 : i32
      %dma_wait3A_174 = arith.constant 0 : i32
      %dma_wait3A_175 = tpu.memref_slice %arg3[%dma_wait3A_173, %dma_wait3A_174] : memref<1000000x64xf32, #tpu.memory_space<hbm>> -> memref<1000000x64xf32, #tpu.memory_space<hbm>>
      tpu.wait_indirect_dma semaphore(%arg9 : memref<!tpu.dma_semaphore, #tpu.memory_space<semaphore_mem>>) src(%dma_wait3A_175 : memref<1000000x64xf32, #tpu.memory_space<hbm>>) dst(%dma_wait3A_171 : memref<72x64xf32, #tpu.memory_space<vmem>>)
      %broadcast_in_dim3A_176 = arith.constant 0.000000e+00 : f32
      %broadcast_in_dim3A_177 = vector.broadcast %broadcast_in_dim3A_176 : f32 to vector<16xf32>
      %scan3A_178 = arith.constant 0 : i32
      %scan3A_179 = arith.constant 200 : i32
      %scan3A_180 = arith.addi %scan3A_178, %scan3A_179 : i32
      %scan3A_181 = arith.constant 1 : i32
      %scan3A_182:4 = scf.for %scan3A_366 = %scan3A_178 to %scan3A_180 step %scan3A_181 iter_args(%scan3A_367 = %broadcast_in_dim3A_177, %scan3A_368 = %broadcast_in_dim3A_177, %scan3A_369 = %broadcast_in_dim3A_177, %scan3A_370 = %broadcast_in_dim3A_177) -> (vector<16xf32>, vector<16xf32>, vector<16xf32>, vector<16xf32>)  : i32 {
        %get3A = arith.constant 1 : i32
        %get3A_371 = arith.index_cast %get3A : i32 to index
        %get3A_372 = arith.index_cast %scan3A_366 : i32 to index
        %get3A_373 = arith.constant 0 : index
        %get3A_374 = tpu.vector_load %arg6[%get3A_371, %get3A_372, %get3A_373] {strides = array<i32>} : memref<4x200x64xf32, #tpu.memory_space<vmem>>, vector<1x1x16xf32>,
        %get3A_375 = vector.shape_cast %get3A_374 : vector<1x1x16xf32> to vector<16xf32>
        %add3A_376 = arith.addf %scan3A_367, %get3A_375 : vector<16xf32>
        %get3A_377 = arith.constant 1 : i32
        %get3A_378 = arith.index_cast %get3A_377 : i32 to index
        %get3A_379 = arith.index_cast %scan3A_366 : i32 to index
        %get3A_380 = arith.constant 16 : index
        %get3A_381 = tpu.vector_load %arg6[%get3A_378, %get3A_379, %get3A_380] {strides = array<i32>} : memref<4x200x64xf32, #tpu.memory_space<vmem>>, vector<1x1x16xf32>,
        %get3A_382 = vector.shape_cast %get3A_381 : vector<1x1x16xf32> to vector<16xf32>
        %add3A_383 = arith.addf %scan3A_368, %get3A_382 : vector<16xf32>
        %get3A_384 = arith.constant 1 : i32
        %get3A_385 = arith.index_cast %get3A_384 : i32 to index
        %get3A_386 = arith.index_cast %scan3A_366 : i32 to index
        %get3A_387 = arith.constant 32 : index
        %get3A_388 = tpu.vector_load %arg6[%get3A_385, %get3A_386, %get3A_387] {strides = array<i32>} : memref<4x200x64xf32, #tpu.memory_space<vmem>>, vector<1x1x16xf32>,
        %get3A_389 = vector.shape_cast %get3A_388 : vector<1x1x16xf32> to vector<16xf32>
        %add3A_390 = arith.addf %scan3A_369, %get3A_389 : vector<16xf32>
        %get3A_391 = arith.constant 1 : i32
        %get3A_392 = arith.index_cast %get3A_391 : i32 to index
        %get3A_393 = arith.index_cast %scan3A_366 : i32 to index
        %get3A_394 = arith.constant 48 : index
        %get3A_395 = tpu.vector_load %arg6[%get3A_392, %get3A_393, %get3A_394] {strides = array<i32>} : memref<4x200x64xf32, #tpu.memory_space<vmem>>, vector<1x1x16xf32>,
        %get3A_396 = vector.shape_cast %get3A_395 : vector<1x1x16xf32> to vector<16xf32>
        %add3A_397 = arith.addf %scan3A_370, %get3A_396 : vector<16xf32>
        scf.yield %add3A_376, %add3A_383, %add3A_390, %add3A_397 : vector<16xf32>, vector<16xf32>, vector<16xf32>, vector<16xf32>
      }
      %scan3A_183 = arith.constant 200 : i32
      %mul3A_184 = arith.constant 64 : i32
      %mul3A_185 = arith.muli %add3A_144, %mul3A_184 : i32
      %add3A_186 = arith.constant 0 : i32
      %add3A_187 = arith.addi %mul3A_185, %add3A_186 : i32
      %swap3A_188 = arith.index_cast %add3A_187 : i32 to index
      %swap3A_189 = tpu.vector_load %arg7[%swap3A_188] {strides = array<i32>} : memref<8192xf32, #tpu.memory_space<vmem>>, vector<16xf32>,
      %swap3A_190 = vector.shape_cast %swap3A_189 : vector<16xf32> to vector<16xf32>
      %swap3A_191 = vector.shape_cast %scan3A_182#0 : vector<16xf32> to vector<16xf32>
      tpu.vector_store %arg7[%swap3A_188], %swap3A_191 {strides = array<i32>} : memref<8192xf32, #tpu.memory_space<vmem>>, vector<16xf32>,
      %mul3A_192 = arith.constant 64 : i32
      %mul3A_193 = arith.muli %add3A_144, %mul3A_192 : i32
      %add3A_194 = arith.constant 16 : i32
      %add3A_195 = arith.addi %mul3A_193, %add3A_194 : i32
      %swap3A_196 = arith.index_cast %add3A_195 : i32 to index
      %swap3A_197 = tpu.vector_load %arg7[%swap3A_196] {strides = array<i32>} : memref<8192xf32, #tpu.memory_space<vmem>>, vector<16xf32>,
      %swap3A_198 = vector.shape_cast %swap3A_197 : vector<16xf32> to vector<16xf32>
      %swap3A_199 = vector.shape_cast %scan3A_182#1 : vector<16xf32> to vector<16xf32>
      tpu.vector_store %arg7[%swap3A_196], %swap3A_199 {strides = array<i32>} : memref<8192xf32, #tpu.memory_space<vmem>>, vector<16xf32>,
      %mul3A_200 = arith.constant 64 : i32
      %mul3A_201 = arith.muli %add3A_144, %mul3A_200 : i32
      %add3A_202 = arith.constant 32 : i32
      %add3A_203 = arith.addi %mul3A_201, %add3A_202 : i32
      %swap3A_204 = arith.index_cast %add3A_203 : i32 to index
      %swap3A_205 = tpu.vector_load %arg7[%swap3A_204] {strides = array<i32>} : memref<8192xf32, #tpu.memory_space<vmem>>, vector<16xf32>,
      %swap3A_206 = vector.shape_cast %swap3A_205 : vector<16xf32> to vector<16xf32>
      %swap3A_207 = vector.shape_cast %scan3A_182#2 : vector<16xf32> to vector<16xf32>
      tpu.vector_store %arg7[%swap3A_204], %swap3A_207 {strides = array<i32>} : memref<8192xf32, #tpu.memory_space<vmem>>, vector<16xf32>,
      %mul3A_208 = arith.constant 64 : i32
      %mul3A_209 = arith.muli %add3A_144, %mul3A_208 : i32
      %add3A_210 = arith.constant 48 : i32
      %add3A_211 = arith.addi %mul3A_209, %add3A_210 : i32
      %swap3A_212 = arith.index_cast %add3A_211 : i32 to index
      %swap3A_213 = tpu.vector_load %arg7[%swap3A_212] {strides = array<i32>} : memref<8192xf32, #tpu.memory_space<vmem>>, vector<16xf32>,
      %swap3A_214 = vector.shape_cast %swap3A_213 : vector<16xf32> to vector<16xf32>
      %swap3A_215 = vector.shape_cast %scan3A_182#3 : vector<16xf32> to vector<16xf32>
      tpu.vector_store %arg7[%swap3A_212], %swap3A_215 {strides = array<i32>} : memref<8192xf32, #tpu.memory_space<vmem>>, vector<16xf32>,
      %mul3A_216 = arith.constant 4 : i32
      %mul3A_217 = arith.muli %mul3A_216, %scan3A_71 : i32
      %add3A_218 = arith.constant 2 : i32
      %add3A_219 = arith.addi %mul3A_217, %add3A_218 : i32
      %add3A_220 = arith.constant 3 : i32
      %add3A_221 = arith.addi %add3A_219, %add3A_220 : i32
      %lt3A_222 = arith.constant 128 : i32
      %lt3A_223 = arith.cmpi slt, %add3A_221, %lt3A_222 : i32
      %convert_element_type3A_224 = arith.extui %lt3A_223 : i1 to i32
      %cond3A_225 = arith.constant 0 : i32
      %cond3A_226 = arith.cmpi ne, %convert_element_type3A_224, %cond3A_225 : i32
      scf.if %cond3A_226 {
        %add3A_366 = arith.constant 3 : i32
        %add3A_367 = arith.addi %add3A_219, %add3A_366 : i32
        %mul3A_368 = arith.constant 200 : i32
        %mul3A_369 = arith.muli %add3A_367, %mul3A_368 : i32
        %mul3A_370 = arith.constant 200 : i32
        %mul3A_371 = arith.muli %add3A_367, %mul3A_370 : i32
        %add3A_372 = arith.constant 128 : i32
        %add3A_373 = arith.addi %mul3A_371, %add3A_372 : i32
        %dma_start3A_374 = arith.constant 1 : i32
        %dma_start3A_375 = arith.constant 0 : i32
        %dma_start3A_376 = arith.constant 0 : i32
        %dma_start3A_377 = tpu.memref_slice %arg6[%dma_start3A_374, %dma_start3A_375, %dma_start3A_376] : memref<4x200x64xf32, #tpu.memory_space<vmem>> -> memref<1x128x64xf32, #tpu.memory_space<vmem>>
        %dma_start3A_378 = tpu.memref_squeeze %dma_start3A_377 : memref<1x128x64xf32, #tpu.memory_space<vmem>> -> memref<128x64xf32, #tpu.memory_space<vmem>>
        %dma_start3A_379 = tpu.memref_slice %arg5[%mul3A_369] : memref<25616xi32, #tpu.memory_space<vmem>> -> memref<128xi32, #tpu.memory_space<vmem>>
        %dma_start3A_380 = arith.constant 0 : i32
        %dma_start3A_381 = arith.constant 0 : i32
        %dma_start3A_382 = tpu.memref_slice %arg3[%dma_start3A_380, %dma_start3A_381] : memref<1000000x64xf32, #tpu.memory_space<hbm>> -> memref<1000000x64xf32, #tpu.memory_space<hbm>>
        tpu.enqueue_indirect_dma source(%dma_start3A_382 : memref<1000000x64xf32, #tpu.memory_space<hbm>>) target(%dma_start3A_378 : memref<128x64xf32, #tpu.memory_space<vmem>>) offsets(%dma_start3A_379 : memref<128xi32, #tpu.memory_space<vmem>>) semaphore(%arg9 : memref<!tpu.dma_semaphore, #tpu.memory_space<semaphore_mem>>)
        %dma_start3A_383 = arith.constant 1 : i32
        %dma_start3A_384 = arith.constant 128 : i32
        %dma_start3A_385 = arith.constant 0 : i32
        %dma_start3A_386 = tpu.memref_slice %arg6[%dma_start3A_383, %dma_start3A_384, %dma_start3A_385] : memref<4x200x64xf32, #tpu.memory_space<vmem>> -> memref<1x72x64xf32, #tpu.memory_space<vmem>>
        %dma_start3A_387 = tpu.memref_squeeze %dma_start3A_386 : memref<1x72x64xf32, #tpu.memory_space<vmem>> -> memref<72x64xf32, #tpu.memory_space<vmem>>
        %dma_start3A_388 = tpu.memref_slice %arg5[%add3A_373] : memref<25616xi32, #tpu.memory_space<vmem>> -> memref<72xi32, #tpu.memory_space<vmem>>
        %dma_start3A_389 = arith.constant 0 : i32
        %dma_start3A_390 = arith.constant 0 : i32
        %dma_start3A_391 = tpu.memref_slice %arg3[%dma_start3A_389, %dma_start3A_390] : memref<1000000x64xf32, #tpu.memory_space<hbm>> -> memref<1000000x64xf32, #tpu.memory_space<hbm>>
        tpu.enqueue_indirect_dma source(%dma_start3A_391 : memref<1000000x64xf32, #tpu.memory_space<hbm>>) target(%dma_start3A_387 : memref<72x64xf32, #tpu.memory_space<vmem>>) offsets(%dma_start3A_388 : memref<72xi32, #tpu.memory_space<vmem>>) semaphore(%arg9 : memref<!tpu.dma_semaphore, #tpu.memory_space<semaphore_mem>>)
      } else {
      }
      %mul3A_227 = arith.constant 200 : i32
      %mul3A_228 = arith.muli %add3A_219, %mul3A_227 : i32
      %mul3A_229 = arith.constant 200 : i32
      %mul3A_230 = arith.muli %add3A_219, %mul3A_229 : i32
      %add3A_231 = arith.constant 128 : i32
      %add3A_232 = arith.addi %mul3A_230, %add3A_231 : i32
      %dma_wait3A_233 = arith.constant 2 : i32
      %dma_wait3A_234 = arith.constant 0 : i32
      %dma_wait3A_235 = arith.constant 0 : i32
      %dma_wait3A_236 = tpu.memref_slice %arg6[%dma_wait3A_233, %dma_wait3A_234, %dma_wait3A_235] : memref<4x200x64xf32, #tpu.memory_space<vmem>> -> memref<1x128x64xf32, #tpu.memory_space<vmem>>
      %dma_wait3A_237 = tpu.memref_squeeze %dma_wait3A_236 : memref<1x128x64xf32, #tpu.memory_space<vmem>> -> memref<128x64xf32, #tpu.memory_space<vmem>>
      %dma_wait3A_238 = tpu.memref_slice %arg5[%mul3A_228] : memref<25616xi32, #tpu.memory_space<vmem>> -> memref<128xi32, #tpu.memory_space<vmem>>
      %dma_wait3A_239 = arith.constant 0 : i32
      %dma_wait3A_240 = arith.constant 0 : i32
      %dma_wait3A_241 = tpu.memref_slice %arg3[%dma_wait3A_239, %dma_wait3A_240] : memref<1000000x64xf32, #tpu.memory_space<hbm>> -> memref<1000000x64xf32, #tpu.memory_space<hbm>>
      tpu.wait_indirect_dma semaphore(%arg10 : memref<!tpu.dma_semaphore, #tpu.memory_space<semaphore_mem>>) src(%dma_wait3A_241 : memref<1000000x64xf32, #tpu.memory_space<hbm>>) dst(%dma_wait3A_237 : memref<128x64xf32, #tpu.memory_space<vmem>>)
      %dma_wait3A_242 = arith.constant 2 : i32
      %dma_wait3A_243 = arith.constant 128 : i32
      %dma_wait3A_244 = arith.constant 0 : i32
      %dma_wait3A_245 = tpu.memref_slice %arg6[%dma_wait3A_242, %dma_wait3A_243, %dma_wait3A_244] : memref<4x200x64xf32, #tpu.memory_space<vmem>> -> memref<1x72x64xf32, #tpu.memory_space<vmem>>
      %dma_wait3A_246 = tpu.memref_squeeze %dma_wait3A_245 : memref<1x72x64xf32, #tpu.memory_space<vmem>> -> memref<72x64xf32, #tpu.memory_space<vmem>>
      %dma_wait3A_247 = tpu.memref_slice %arg5[%add3A_232] : memref<25616xi32, #tpu.memory_space<vmem>> -> memref<72xi32, #tpu.memory_space<vmem>>
      %dma_wait3A_248 = arith.constant 0 : i32
      %dma_wait3A_249 = arith.constant 0 : i32
      %dma_wait3A_250 = tpu.memref_slice %arg3[%dma_wait3A_248, %dma_wait3A_249] : memref<1000000x64xf32, #tpu.memory_space<hbm>> -> memref<1000000x64xf32, #tpu.memory_space<hbm>>
      tpu.wait_indirect_dma semaphore(%arg10 : memref<!tpu.dma_semaphore, #tpu.memory_space<semaphore_mem>>) src(%dma_wait3A_250 : memref<1000000x64xf32, #tpu.memory_space<hbm>>) dst(%dma_wait3A_246 : memref<72x64xf32, #tpu.memory_space<vmem>>)
      %broadcast_in_dim3A_251 = arith.constant 0.000000e+00 : f32
      %broadcast_in_dim3A_252 = vector.broadcast %broadcast_in_dim3A_251 : f32 to vector<16xf32>
      %scan3A_253 = arith.constant 0 : i32
      %scan3A_254 = arith.constant 200 : i32
      %scan3A_255 = arith.addi %scan3A_253, %scan3A_254 : i32
      %scan3A_256 = arith.constant 1 : i32
      %scan3A_257:4 = scf.for %scan3A_366 = %scan3A_253 to %scan3A_255 step %scan3A_256 iter_args(%scan3A_367 = %broadcast_in_dim3A_252, %scan3A_368 = %broadcast_in_dim3A_252, %scan3A_369 = %broadcast_in_dim3A_252, %scan3A_370 = %broadcast_in_dim3A_252) -> (vector<16xf32>, vector<16xf32>, vector<16xf32>, vector<16xf32>)  : i32 {
        %get3A = arith.constant 2 : i32
        %get3A_371 = arith.index_cast %get3A : i32 to index
        %get3A_372 = arith.index_cast %scan3A_366 : i32 to index
        %get3A_373 = arith.constant 0 : index
        %get3A_374 = tpu.vector_load %arg6[%get3A_371, %get3A_372, %get3A_373] {strides = array<i32>} : memref<4x200x64xf32, #tpu.memory_space<vmem>>, vector<1x1x16xf32>,
        %get3A_375 = vector.shape_cast %get3A_374 : vector<1x1x16xf32> to vector<16xf32>
        %add3A_376 = arith.addf %scan3A_367, %get3A_375 : vector<16xf32>
        %get3A_377 = arith.constant 2 : i32
        %get3A_378 = arith.index_cast %get3A_377 : i32 to index
        %get3A_379 = arith.index_cast %scan3A_366 : i32 to index
        %get3A_380 = arith.constant 16 : index
        %get3A_381 = tpu.vector_load %arg6[%get3A_378, %get3A_379, %get3A_380] {strides = array<i32>} : memref<4x200x64xf32, #tpu.memory_space<vmem>>, vector<1x1x16xf32>,
        %get3A_382 = vector.shape_cast %get3A_381 : vector<1x1x16xf32> to vector<16xf32>
        %add3A_383 = arith.addf %scan3A_368, %get3A_382 : vector<16xf32>
        %get3A_384 = arith.constant 2 : i32
        %get3A_385 = arith.index_cast %get3A_384 : i32 to index
        %get3A_386 = arith.index_cast %scan3A_366 : i32 to index
        %get3A_387 = arith.constant 32 : index
        %get3A_388 = tpu.vector_load %arg6[%get3A_385, %get3A_386, %get3A_387] {strides = array<i32>} : memref<4x200x64xf32, #tpu.memory_space<vmem>>, vector<1x1x16xf32>,
        %get3A_389 = vector.shape_cast %get3A_388 : vector<1x1x16xf32> to vector<16xf32>
        %add3A_390 = arith.addf %scan3A_369, %get3A_389 : vector<16xf32>
        %get3A_391 = arith.constant 2 : i32
        %get3A_392 = arith.index_cast %get3A_391 : i32 to index
        %get3A_393 = arith.index_cast %scan3A_366 : i32 to index
        %get3A_394 = arith.constant 48 : index
        %get3A_395 = tpu.vector_load %arg6[%get3A_392, %get3A_393, %get3A_394] {strides = array<i32>} : memref<4x200x64xf32, #tpu.memory_space<vmem>>, vector<1x1x16xf32>,
        %get3A_396 = vector.shape_cast %get3A_395 : vector<1x1x16xf32> to vector<16xf32>
        %add3A_397 = arith.addf %scan3A_370, %get3A_396 : vector<16xf32>
        scf.yield %add3A_376, %add3A_383, %add3A_390, %add3A_397 : vector<16xf32>, vector<16xf32>, vector<16xf32>, vector<16xf32>
      }
      %scan3A_258 = arith.constant 200 : i32
      %mul3A_259 = arith.constant 64 : i32
      %mul3A_260 = arith.muli %add3A_219, %mul3A_259 : i32
      %add3A_261 = arith.constant 0 : i32
      %add3A_262 = arith.addi %mul3A_260, %add3A_261 : i32
      %swap3A_263 = arith.index_cast %add3A_262 : i32 to index
      %swap3A_264 = tpu.vector_load %arg7[%swap3A_263] {strides = array<i32>} : memref<8192xf32, #tpu.memory_space<vmem>>, vector<16xf32>,
      %swap3A_265 = vector.shape_cast %swap3A_264 : vector<16xf32> to vector<16xf32>
      %swap3A_266 = vector.shape_cast %scan3A_257#0 : vector<16xf32> to vector<16xf32>
      tpu.vector_store %arg7[%swap3A_263], %swap3A_266 {strides = array<i32>} : memref<8192xf32, #tpu.memory_space<vmem>>, vector<16xf32>,
      %mul3A_267 = arith.constant 64 : i32
      %mul3A_268 = arith.muli %add3A_219, %mul3A_267 : i32
      %add3A_269 = arith.constant 16 : i32
      %add3A_270 = arith.addi %mul3A_268, %add3A_269 : i32
      %swap3A_271 = arith.index_cast %add3A_270 : i32 to index
      %swap3A_272 = tpu.vector_load %arg7[%swap3A_271] {strides = array<i32>} : memref<8192xf32, #tpu.memory_space<vmem>>, vector<16xf32>,
      %swap3A_273 = vector.shape_cast %swap3A_272 : vector<16xf32> to vector<16xf32>
      %swap3A_274 = vector.shape_cast %scan3A_257#1 : vector<16xf32> to vector<16xf32>
      tpu.vector_store %arg7[%swap3A_271], %swap3A_274 {strides = array<i32>} : memref<8192xf32, #tpu.memory_space<vmem>>, vector<16xf32>,
      %mul3A_275 = arith.constant 64 : i32
      %mul3A_276 = arith.muli %add3A_219, %mul3A_275 : i32
      %add3A_277 = arith.constant 32 : i32
      %add3A_278 = arith.addi %mul3A_276, %add3A_277 : i32
      %swap3A_279 = arith.index_cast %add3A_278 : i32 to index
      %swap3A_280 = tpu.vector_load %arg7[%swap3A_279] {strides = array<i32>} : memref<8192xf32, #tpu.memory_space<vmem>>, vector<16xf32>,
      %swap3A_281 = vector.shape_cast %swap3A_280 : vector<16xf32> to vector<16xf32>
      %swap3A_282 = vector.shape_cast %scan3A_257#2 : vector<16xf32> to vector<16xf32>
      tpu.vector_store %arg7[%swap3A_279], %swap3A_282 {strides = array<i32>} : memref<8192xf32, #tpu.memory_space<vmem>>, vector<16xf32>,
      %mul3A_283 = arith.constant 64 : i32
      %mul3A_284 = arith.muli %add3A_219, %mul3A_283 : i32
      %add3A_285 = arith.constant 48 : i32
      %add3A_286 = arith.addi %mul3A_284, %add3A_285 : i32
      %swap3A_287 = arith.index_cast %add3A_286 : i32 to index
      %swap3A_288 = tpu.vector_load %arg7[%swap3A_287] {strides = array<i32>} : memref<8192xf32, #tpu.memory_space<vmem>>, vector<16xf32>,
      %swap3A_289 = vector.shape_cast %swap3A_288 : vector<16xf32> to vector<16xf32>
      %swap3A_290 = vector.shape_cast %scan3A_257#3 : vector<16xf32> to vector<16xf32>
      tpu.vector_store %arg7[%swap3A_287], %swap3A_290 {strides = array<i32>} : memref<8192xf32, #tpu.memory_space<vmem>>, vector<16xf32>,
      %mul3A_291 = arith.constant 4 : i32
      %mul3A_292 = arith.muli %mul3A_291, %scan3A_71 : i32
      %add3A_293 = arith.constant 3 : i32
      %add3A_294 = arith.addi %mul3A_292, %add3A_293 : i32
      %add3A_295 = arith.constant 3 : i32
      %add3A_296 = arith.addi %add3A_294, %add3A_295 : i32
      %lt3A_297 = arith.constant 128 : i32
      %lt3A_298 = arith.cmpi slt, %add3A_296, %lt3A_297 : i32
      %convert_element_type3A_299 = arith.extui %lt3A_298 : i1 to i32
      %cond3A_300 = arith.constant 0 : i32
      %cond3A_301 = arith.cmpi ne, %convert_element_type3A_299, %cond3A_300 : i32
      scf.if %cond3A_301 {
        %add3A_366 = arith.constant 3 : i32
        %add3A_367 = arith.addi %add3A_294, %add3A_366 : i32
        %mul3A_368 = arith.constant 200 : i32
        %mul3A_369 = arith.muli %add3A_367, %mul3A_368 : i32
        %mul3A_370 = arith.constant 200 : i32
        %mul3A_371 = arith.muli %add3A_367, %mul3A_370 : i32
        %add3A_372 = arith.constant 128 : i32
        %add3A_373 = arith.addi %mul3A_371, %add3A_372 : i32
        %dma_start3A_374 = arith.constant 2 : i32
        %dma_start3A_375 = arith.constant 0 : i32
        %dma_start3A_376 = arith.constant 0 : i32
        %dma_start3A_377 = tpu.memref_slice %arg6[%dma_start3A_374, %dma_start3A_375, %dma_start3A_376] : memref<4x200x64xf32, #tpu.memory_space<vmem>> -> memref<1x128x64xf32, #tpu.memory_space<vmem>>
        %dma_start3A_378 = tpu.memref_squeeze %dma_start3A_377 : memref<1x128x64xf32, #tpu.memory_space<vmem>> -> memref<128x64xf32, #tpu.memory_space<vmem>>
        %dma_start3A_379 = tpu.memref_slice %arg5[%mul3A_369] : memref<25616xi32, #tpu.memory_space<vmem>> -> memref<128xi32, #tpu.memory_space<vmem>>
        %dma_start3A_380 = arith.constant 0 : i32
        %dma_start3A_381 = arith.constant 0 : i32
        %dma_start3A_382 = tpu.memref_slice %arg3[%dma_start3A_380, %dma_start3A_381] : memref<1000000x64xf32, #tpu.memory_space<hbm>> -> memref<1000000x64xf32, #tpu.memory_space<hbm>>
        tpu.enqueue_indirect_dma source(%dma_start3A_382 : memref<1000000x64xf32, #tpu.memory_space<hbm>>) target(%dma_start3A_378 : memref<128x64xf32, #tpu.memory_space<vmem>>) offsets(%dma_start3A_379 : memref<128xi32, #tpu.memory_space<vmem>>) semaphore(%arg10 : memref<!tpu.dma_semaphore, #tpu.memory_space<semaphore_mem>>)
        %dma_start3A_383 = arith.constant 2 : i32
        %dma_start3A_384 = arith.constant 128 : i32
        %dma_start3A_385 = arith.constant 0 : i32
        %dma_start3A_386 = tpu.memref_slice %arg6[%dma_start3A_383, %dma_start3A_384, %dma_start3A_385] : memref<4x200x64xf32, #tpu.memory_space<vmem>> -> memref<1x72x64xf32, #tpu.memory_space<vmem>>
        %dma_start3A_387 = tpu.memref_squeeze %dma_start3A_386 : memref<1x72x64xf32, #tpu.memory_space<vmem>> -> memref<72x64xf32, #tpu.memory_space<vmem>>
        %dma_start3A_388 = tpu.memref_slice %arg5[%add3A_373] : memref<25616xi32, #tpu.memory_space<vmem>> -> memref<72xi32, #tpu.memory_space<vmem>>
        %dma_start3A_389 = arith.constant 0 : i32
        %dma_start3A_390 = arith.constant 0 : i32
        %dma_start3A_391 = tpu.memref_slice %arg3[%dma_start3A_389, %dma_start3A_390] : memref<1000000x64xf32, #tpu.memory_space<hbm>> -> memref<1000000x64xf32, #tpu.memory_space<hbm>>
        tpu.enqueue_indirect_dma source(%dma_start3A_391 : memref<1000000x64xf32, #tpu.memory_space<hbm>>) target(%dma_start3A_387 : memref<72x64xf32, #tpu.memory_space<vmem>>) offsets(%dma_start3A_388 : memref<72xi32, #tpu.memory_space<vmem>>) semaphore(%arg10 : memref<!tpu.dma_semaphore, #tpu.memory_space<semaphore_mem>>)
      } else {
      }
      %mul3A_302 = arith.constant 200 : i32
      %mul3A_303 = arith.muli %add3A_294, %mul3A_302 : i32
      %mul3A_304 = arith.constant 200 : i32
      %mul3A_305 = arith.muli %add3A_294, %mul3A_304 : i32
      %add3A_306 = arith.constant 128 : i32
      %add3A_307 = arith.addi %mul3A_305, %add3A_306 : i32
      %dma_wait3A_308 = arith.constant 3 : i32
      %dma_wait3A_309 = arith.constant 0 : i32
      %dma_wait3A_310 = arith.constant 0 : i32
      %dma_wait3A_311 = tpu.memref_slice %arg6[%dma_wait3A_308, %dma_wait3A_309, %dma_wait3A_310] : memref<4x200x64xf32, #tpu.memory_space<vmem>> -> memref<1x128x64xf32, #tpu.memory_space<vmem>>
      %dma_wait3A_312 = tpu.memref_squeeze %dma_wait3A_311 : memref<1x128x64xf32, #tpu.memory_space<vmem>> -> memref<128x64xf32, #tpu.memory_space<vmem>>
      %dma_wait3A_313 = tpu.memref_slice %arg5[%mul3A_303] : memref<25616xi32, #tpu.memory_space<vmem>> -> memref<128xi32, #tpu.memory_space<vmem>>
      %dma_wait3A_314 = arith.constant 0 : i32
      %dma_wait3A_315 = arith.constant 0 : i32
      %dma_wait3A_316 = tpu.memref_slice %arg3[%dma_wait3A_314, %dma_wait3A_315] : memref<1000000x64xf32, #tpu.memory_space<hbm>> -> memref<1000000x64xf32, #tpu.memory_space<hbm>>
      tpu.wait_indirect_dma semaphore(%arg11 : memref<!tpu.dma_semaphore, #tpu.memory_space<semaphore_mem>>) src(%dma_wait3A_316 : memref<1000000x64xf32, #tpu.memory_space<hbm>>) dst(%dma_wait3A_312 : memref<128x64xf32, #tpu.memory_space<vmem>>)
      %dma_wait3A_317 = arith.constant 3 : i32
      %dma_wait3A_318 = arith.constant 128 : i32
      %dma_wait3A_319 = arith.constant 0 : i32
      %dma_wait3A_320 = tpu.memref_slice %arg6[%dma_wait3A_317, %dma_wait3A_318, %dma_wait3A_319] : memref<4x200x64xf32, #tpu.memory_space<vmem>> -> memref<1x72x64xf32, #tpu.memory_space<vmem>>
      %dma_wait3A_321 = tpu.memref_squeeze %dma_wait3A_320 : memref<1x72x64xf32, #tpu.memory_space<vmem>> -> memref<72x64xf32, #tpu.memory_space<vmem>>
      %dma_wait3A_322 = tpu.memref_slice %arg5[%add3A_307] : memref<25616xi32, #tpu.memory_space<vmem>> -> memref<72xi32, #tpu.memory_space<vmem>>
      %dma_wait3A_323 = arith.constant 0 : i32
      %dma_wait3A_324 = arith.constant 0 : i32
      %dma_wait3A_325 = tpu.memref_slice %arg3[%dma_wait3A_323, %dma_wait3A_324] : memref<1000000x64xf32, #tpu.memory_space<hbm>> -> memref<1000000x64xf32, #tpu.memory_space<hbm>>
      tpu.wait_indirect_dma semaphore(%arg11 : memref<!tpu.dma_semaphore, #tpu.memory_space<semaphore_mem>>) src(%dma_wait3A_325 : memref<1000000x64xf32, #tpu.memory_space<hbm>>) dst(%dma_wait3A_321 : memref<72x64xf32, #tpu.memory_space<vmem>>)
      %broadcast_in_dim3A_326 = arith.constant 0.000000e+00 : f32
      %broadcast_in_dim3A_327 = vector.broadcast %broadcast_in_dim3A_326 : f32 to vector<16xf32>
      %scan3A_328 = arith.constant 0 : i32
      %scan3A_329 = arith.constant 200 : i32
      %scan3A_330 = arith.addi %scan3A_328, %scan3A_329 : i32
      %scan3A_331 = arith.constant 1 : i32
      %scan3A_332:4 = scf.for %scan3A_366 = %scan3A_328 to %scan3A_330 step %scan3A_331 iter_args(%scan3A_367 = %broadcast_in_dim3A_327, %scan3A_368 = %broadcast_in_dim3A_327, %scan3A_369 = %broadcast_in_dim3A_327, %scan3A_370 = %broadcast_in_dim3A_327) -> (vector<16xf32>, vector<16xf32>, vector<16xf32>, vector<16xf32>)  : i32 {
        %get3A = arith.constant 3 : i32
        %get3A_371 = arith.index_cast %get3A : i32 to index
        %get3A_372 = arith.index_cast %scan3A_366 : i32 to index
        %get3A_373 = arith.constant 0 : index
        %get3A_374 = tpu.vector_load %arg6[%get3A_371, %get3A_372, %get3A_373] {strides = array<i32>} : memref<4x200x64xf32, #tpu.memory_space<vmem>>, vector<1x1x16xf32>,
        %get3A_375 = vector.shape_cast %get3A_374 : vector<1x1x16xf32> to vector<16xf32>
        %add3A_376 = arith.addf %scan3A_367, %get3A_375 : vector<16xf32>
        %get3A_377 = arith.constant 3 : i32
        %get3A_378 = arith.index_cast %get3A_377 : i32 to index
        %get3A_379 = arith.index_cast %scan3A_366 : i32 to index
        %get3A_380 = arith.constant 16 : index
        %get3A_381 = tpu.vector_load %arg6[%get3A_378, %get3A_379, %get3A_380] {strides = array<i32>} : memref<4x200x64xf32, #tpu.memory_space<vmem>>, vector<1x1x16xf32>,
        %get3A_382 = vector.shape_cast %get3A_381 : vector<1x1x16xf32> to vector<16xf32>
        %add3A_383 = arith.addf %scan3A_368, %get3A_382 : vector<16xf32>
        %get3A_384 = arith.constant 3 : i32
        %get3A_385 = arith.index_cast %get3A_384 : i32 to index
        %get3A_386 = arith.index_cast %scan3A_366 : i32 to index
        %get3A_387 = arith.constant 32 : index
        %get3A_388 = tpu.vector_load %arg6[%get3A_385, %get3A_386, %get3A_387] {strides = array<i32>} : memref<4x200x64xf32, #tpu.memory_space<vmem>>, vector<1x1x16xf32>,
        %get3A_389 = vector.shape_cast %get3A_388 : vector<1x1x16xf32> to vector<16xf32>
        %add3A_390 = arith.addf %scan3A_369, %get3A_389 : vector<16xf32>
        %get3A_391 = arith.constant 3 : i32
        %get3A_392 = arith.index_cast %get3A_391 : i32 to index
        %get3A_393 = arith.index_cast %scan3A_366 : i32 to index
        %get3A_394 = arith.constant 48 : index
        %get3A_395 = tpu.vector_load %arg6[%get3A_392, %get3A_393, %get3A_394] {strides = array<i32>} : memref<4x200x64xf32, #tpu.memory_space<vmem>>, vector<1x1x16xf32>,
        %get3A_396 = vector.shape_cast %get3A_395 : vector<1x1x16xf32> to vector<16xf32>
        %add3A_397 = arith.addf %scan3A_370, %get3A_396 : vector<16xf32>
        scf.yield %add3A_376, %add3A_383, %add3A_390, %add3A_397 : vector<16xf32>, vector<16xf32>, vector<16xf32>, vector<16xf32>
      }
      %scan3A_333 = arith.constant 200 : i32
      %mul3A_334 = arith.constant 64 : i32
      %mul3A_335 = arith.muli %add3A_294, %mul3A_334 : i32
      %add3A_336 = arith.constant 0 : i32
      %add3A_337 = arith.addi %mul3A_335, %add3A_336 : i32
      %swap3A_338 = arith.index_cast %add3A_337 : i32 to index
      %swap3A_339 = tpu.vector_load %arg7[%swap3A_338] {strides = array<i32>} : memref<8192xf32, #tpu.memory_space<vmem>>, vector<16xf32>,
      %swap3A_340 = vector.shape_cast %swap3A_339 : vector<16xf32> to vector<16xf32>
      %swap3A_341 = vector.shape_cast %scan3A_332#0 : vector<16xf32> to vector<16xf32>
      tpu.vector_store %arg7[%swap3A_338], %swap3A_341 {strides = array<i32>} : memref<8192xf32, #tpu.memory_space<vmem>>, vector<16xf32>,
      %mul3A_342 = arith.constant 64 : i32
      %mul3A_343 = arith.muli %add3A_294, %mul3A_342 : i32
      %add3A_344 = arith.constant 16 : i32
      %add3A_345 = arith.addi %mul3A_343, %add3A_344 : i32
      %swap3A_346 = arith.index_cast %add3A_345 : i32 to index
      %swap3A_347 = tpu.vector_load %arg7[%swap3A_346] {strides = array<i32>} : memref<8192xf32, #tpu.memory_space<vmem>>, vector<16xf32>,
      %swap3A_348 = vector.shape_cast %swap3A_347 : vector<16xf32> to vector<16xf32>
      %swap3A_349 = vector.shape_cast %scan3A_332#1 : vector<16xf32> to vector<16xf32>
      tpu.vector_store %arg7[%swap3A_346], %swap3A_349 {strides = array<i32>} : memref<8192xf32, #tpu.memory_space<vmem>>, vector<16xf32>,
      %mul3A_350 = arith.constant 64 : i32
      %mul3A_351 = arith.muli %add3A_294, %mul3A_350 : i32
      %add3A_352 = arith.constant 32 : i32
      %add3A_353 = arith.addi %mul3A_351, %add3A_352 : i32
      %swap3A_354 = arith.index_cast %add3A_353 : i32 to index
      %swap3A_355 = tpu.vector_load %arg7[%swap3A_354] {strides = array<i32>} : memref<8192xf32, #tpu.memory_space<vmem>>, vector<16xf32>,
      %swap3A_356 = vector.shape_cast %swap3A_355 : vector<16xf32> to vector<16xf32>
      %swap3A_357 = vector.shape_cast %scan3A_332#2 : vector<16xf32> to vector<16xf32>
      tpu.vector_store %arg7[%swap3A_354], %swap3A_357 {strides = array<i32>} : memref<8192xf32, #tpu.memory_space<vmem>>, vector<16xf32>,
      %mul3A_358 = arith.constant 64 : i32
      %mul3A_359 = arith.muli %add3A_294, %mul3A_358 : i32
      %add3A_360 = arith.constant 48 : i32
      %add3A_361 = arith.addi %mul3A_359, %add3A_360 : i32
      %swap3A_362 = arith.index_cast %add3A_361 : i32 to index
      %swap3A_363 = tpu.vector_load %arg7[%swap3A_362] {strides = array<i32>} : memref<8192xf32, #tpu.memory_space<vmem>>, vector<16xf32>,
      %swap3A_364 = vector.shape_cast %swap3A_363 : vector<16xf32> to vector<16xf32>
      %swap3A_365 = vector.shape_cast %scan3A_332#3 : vector<16xf32> to vector<16xf32>
      tpu.vector_store %arg7[%swap3A_362], %swap3A_365 {strides = array<i32>} : memref<8192xf32, #tpu.memory_space<vmem>>, vector<16xf32>,
    }
    %scan3A_66 = arith.constant 32 : i32
    %mul3A_67 = arith.constant 128 : i32
    %mul3A_68 = arith.muli %add3A, %mul3A_67 : i32
    %mul3A_69 = arith.constant 64 : i32
    %mul3A_70 = arith.muli %mul3A_68, %mul3A_69 : i32
    "tpu.region"() ({
      %run_scoped3A = tpu.sem_alloc : memref<!tpu.dma_semaphore, #tpu.memory_space<semaphore_mem>>
      %dma_start3A_71 = tpu.memref_slice %arg4[%mul3A_70] : memref<262144xf32, #tpu.memory_space<hbm>> -> memref<8192xf32, #tpu.memory_space<hbm>>
      %dma_start3A_72 = tpu.memref_slice %arg4[%mul3A_70] : memref<262144xf32, #tpu.memory_space<hbm>> -> memref<8192xf32, #tpu.memory_space<hbm>>
      tpu.enqueue_dma source(%arg7 : memref<8192xf32, #tpu.memory_space<vmem>>) target(%dma_start3A_72 : memref<8192xf32, #tpu.memory_space<hbm>>) target_semaphore(%run_scoped3A : memref<!tpu.dma_semaphore, #tpu.memory_space<semaphore_mem>>)
      %dma_wait3A = tpu.memref_slice %arg4[%mul3A_70] : memref<262144xf32, #tpu.memory_space<hbm>> -> memref<8192xf32, #tpu.memory_space<hbm>>
      %dma_wait3A_73 = tpu.memref_slice %arg4[%mul3A_70] : memref<262144xf32, #tpu.memory_space<hbm>> -> memref<8192xf32, #tpu.memory_space<hbm>>
      tpu.wait_dma2 semaphore(%run_scoped3A : memref<!tpu.dma_semaphore, #tpu.memory_space<semaphore_mem>>) src(%arg7 : memref<8192xf32, #tpu.memory_space<vmem>>) dst(%dma_wait3A_73 : memref<8192xf32, #tpu.memory_space<hbm>>)
      tpu.yield
    }) : () -> ()
    return
  }
}

module attributes {stable_mosaic.version = 14 : i64} {
  func.func @_tc_body(%arg0: i32, %arg1: memref<512x64xf32, #tpu.memory_space<vmem>>, %arg2: memref<512x200xi32, #tpu.memory_space<vmem>>, %arg3: memref<1x64xf32, #tpu.memory_space<vmem>>, %arg4: memref<64x1000xf32, #tpu.memory_space<vmem>>, %arg5: memref<1x1000xf32, #tpu.memory_space<vmem>>, %arg6: memref<512x1000xf32, #tpu.memory_space<vmem>>) attributes {dimension_semantics = [#tpu.dimension_semantics<arbitrary>], iteration_bounds = array<i64: 8>, scalar_prefetch = 0 : i64, scratch_operands = 0 : i64, tpu.core_type = #tpu.core_type<tc>, window_params = [{transform_indices = @transform_0, window_bounds = array<i64: 512, 64>}, {transform_indices = @transform_1, window_bounds = array<i64: 512, 200>}, {pipeline_mode = #tpu.pipeline_mode<synchronous>, transform_indices = @transform_2, window_bounds = array<i64: 1, 64>}, {pipeline_mode = #tpu.pipeline_mode<synchronous>, transform_indices = @transform_3, window_bounds = array<i64: 64, 1000>}, {pipeline_mode = #tpu.pipeline_mode<synchronous>, transform_indices = @transform_4, window_bounds = array<i64: 1, 1000>}, {transform_indices = @transform_5, window_bounds = array<i64: 512, 1000>}]} {
    %get3A = arith.constant 0 : index
    %get3A_0 = arith.constant 0 : index
    %get3A_1 = vector.load %arg2[%get3A, %get3A_0] : memref<512x200xi32, #tpu.memory_space<vmem>>, vector<512x200xi32>
    %eq3A = arith.constant 0 : i32
    %eq3A_2 = vector.broadcast %eq3A : i32 to vector<512x200xi32>
    %eq3A_3 = arith.cmpi eq, %get3A_1, %eq3A_2 : vector<512x200xi32>
    %convert_element_type3A = arith.extui %eq3A_3 : vector<512x200xi1> to vector<512x200xi32>
    %convert_element_type3A_4 = arith.sitofp %convert_element_type3A : vector<512x200xi32> to vector<512x200xf32>
    %reduce_sum3A = arith.constant dense<0.000000e+00> : vector<512xf32>
    %reduce_sum3A_5 = vector.multi_reduction <add>, %convert_element_type3A_4, %reduce_sum3A [1] : vector<512x200xf32> to vector<512xf32>
    %broadcast_in_dim3A = vector.shape_cast %reduce_sum3A_5 : vector<512xf32> to vector<512x1xf32>
    %sub3A = arith.constant 2.000000e+02 : f32
    %sub3A_6 = vector.broadcast %sub3A : f32 to vector<512x1xf32>
    %sub3A_7 = arith.subf %sub3A_6, %broadcast_in_dim3A : vector<512x1xf32>
    %max3A = arith.constant 1.000000e+00 : f32
    %max3A_8 = vector.broadcast %max3A : f32 to vector<512x1xf32>
    %max3A_9 = arith.maximumf %sub3A_7, %max3A_8 : vector<512x1xf32>
    %get3A_10 = arith.constant 0 : index
    %get3A_11 = arith.constant 0 : index
    %get3A_12 = vector.load %arg1[%get3A_10, %get3A_11] : memref<512x64xf32, #tpu.memory_space<vmem>>, vector<512x64xf32>
    %get3A_13 = arith.constant 0 : index
    %get3A_14 = arith.constant 0 : index
    %get3A_15 = vector.load %arg3[%get3A_13, %get3A_14] : memref<1x64xf32, #tpu.memory_space<vmem>>, vector<1x64xf32>
    %mul3A = vector.broadcast %broadcast_in_dim3A : vector<512x1xf32> to vector<512x64xf32>
    %mul3A_16 = vector.broadcast %get3A_15 : vector<1x64xf32> to vector<512x64xf32>
    %mul3A_17 = arith.mulf %mul3A, %mul3A_16 : vector<512x64xf32>
    %sub3A_18 = arith.subf %get3A_12, %mul3A_17 : vector<512x64xf32>
    %div3A = vector.broadcast %max3A_9 : vector<512x1xf32> to vector<512x64xf32>
    %div3A_19 = arith.divf %sub3A_18, %div3A : vector<512x64xf32>
    %get3A_20 = arith.constant 0 : index
    %get3A_21 = arith.constant 0 : index
    %get3A_22 = vector.load %arg4[%get3A_20, %get3A_21] : memref<64x1000xf32, #tpu.memory_space<vmem>>, vector<64x1000xf32>
    %dot_general3A = arith.constant dense<0.000000e+00> : vector<512x1000xf32>
    %dot_general3A_23 = tpu.matmul %div3A_19, %get3A_22, %dot_general3A {dimension_numbers = #tpu.dot_dimension_numbers<[1], [0], [0], [1], [0, 0, 1, 1], [], []>, transpose_lhs_hint = false} : vector<512x64xf32>, vector<64x1000xf32>, vector<512x1000xf32> -> vector<512x1000xf32>
    %get3A_24 = arith.constant 0 : index
    %get3A_25 = arith.constant 0 : index
    %get3A_26 = vector.load %arg5[%get3A_24, %get3A_25] : memref<1x1000xf32, #tpu.memory_space<vmem>>, vector<1x1000xf32>
    %add3A = vector.broadcast %get3A_26 : vector<1x1000xf32> to vector<512x1000xf32>
    %add3A_27 = arith.addf %dot_general3A_23, %add3A : vector<512x1000xf32>
    %swap3A = arith.constant 0 : index
    %swap3A_28 = arith.constant 0 : index
    %swap3A_29 = vector.load %arg6[%swap3A, %swap3A_28] : memref<512x1000xf32, #tpu.memory_space<vmem>>, vector<512x1000xf32>
    tpu.vector_store %arg6[%swap3A, %swap3A_28], %add3A_27 {strides = array<i32>} : memref<512x1000xf32, #tpu.memory_space<vmem>>, vector<512x1000xf32>,
    return
  }
  func.func @transform_0(%arg0: i32) -> (i32, i32) {
    %c0_i32 = arith.constant 0 : i32
    %c0_i32_0 = arith.constant 0 : i32
    return %arg0, %c0_i32 : i32, i32
  }
  func.func @transform_1(%arg0: i32) -> (i32, i32) {
    %c0_i32 = arith.constant 0 : i32
    %c0_i32_0 = arith.constant 0 : i32
    return %arg0, %c0_i32 : i32, i32
  }
  func.func @transform_2(%arg0: i32) -> (i32, i32) {
    %c0_i32 = arith.constant 0 : i32
    %c0_i32_0 = arith.constant 0 : i32
    %c0_i32_1 = arith.constant 0 : i32
    return %c0_i32, %c0_i32_0 : i32, i32
  }
  func.func @transform_3(%arg0: i32) -> (i32, i32) {
    %c0_i32 = arith.constant 0 : i32
    %c0_i32_0 = arith.constant 0 : i32
    %c0_i32_1 = arith.constant 0 : i32
    return %c0_i32, %c0_i32_0 : i32, i32
  }
  func.func @transform_4(%arg0: i32) -> (i32, i32) {
    %c0_i32 = arith.constant 0 : i32
    %c0_i32_0 = arith.constant 0 : i32
    %c0_i32_1 = arith.constant 0 : i32
    return %c0_i32, %c0_i32_0 : i32, i32
  }
  func.func @transform_5(%arg0: i32) -> (i32, i32) {
    %c0_i32 = arith.constant 0 : i32
    %c0_i32_0 = arith.constant 0 : i32
    return %arg0, %c0_i32 : i32, i32
  }
}

</mosaic_0001>

<sc_bundles>
// kernel: kernel.4.cloned.1.call-start
scs
__scs_entry_jumppad:
0x0: {  	(pc) =	sbr.rel $0x88, $3  }
0x1: {  	(tag) =	ssettag $0x0;
	lr =	simm.s32 $0x1  }
0x2: {  	[smem:$0x3F9D] =	sst lr;
	_ =	strace $0xD0000000  }
0x3: {  	_ = 	snop  }
0x4: {  	_ = 	snop  }
0x5: {  	_ = 	snop  }
0x6: {  	_ = 	snop  }
0x7: {  	_ = 	snop  }
__scs_overlays_trampoline_lowered:
0x8: {  	[smem:$0x3FAC] =	sst s0  }
0x9: {  	[smem:$0x3FAD] =	sst s1  }
0xa: {  	[smem:$0x3FAE] =	sst s2  }
0xb: {  	[smem:$0x3FAF] =	sst s3  }
0xc: {  	[smem:$0x3FB0] =	sst s4  }
0xd: {  	[smem:$0x3FB1] =	sst s5  }
0xe: {  	[smem:$0x3FB2] =	sst s6  }
0xf: {  	[smem:$0x3FB3] =	sst s7  }
0x10: {  	[smem:$0x3FB4] =	sst s8  }
0x11: {  	[smem:$0x3FB5] =	sst s9;
	s0 =	simm.s32 @!p0 $0x0  }
0x12: {  	s1 =	sld [smem:$0x3F9B];
	s0 =	simm.s32 @p0 $0x1  }
0x13: {  	[smem:$0x3FB6] =	sst s0;
	s0 =	simm.s32 @!p1 $0x0  }
0x14: {  	s2 =	sld [smem:$0x3F9A];
	s0 =	simm.s32 @p1 $0x1  }
0x15: {  	[smem:$0x3FB7] =	sst s0;
	s0 =	simm.s32 @!p2 $0x0  }
0x16: {  	s3 =	sld [smem:$0x3FDB];
	s0 =	simm.s32 @p2 $0x1  }
0x17: {  	s4 =	simm.s32 $0x1BF5;
	[smem:$0x3FB9] =	sst s0  }
0x18: {  	s0 =	sld [smem:$0x3F9C];
	_ =	swait.ge [sflag:s4], $0x0  }
0x19: {  	s7 =	sld [smem:$0x3F9D]  }
0x1a: {  	s8 =	sadd.s32 $0xFFFFE003, lr  }
0x1b: {  	s9 =	sadd.s32 $0xFFFFFEF7, lr;
	s5 =	simm.s32 $0xFFFFFFFF;
	p2 =	slt.u32 s8, $0xFFFFF086  }
0x1c: {  	p1 =	slt.u32 s9, $0xF7A;
	s5 =	simm.s32 @!p2 $0x0  }
0x1d: {  	s5 =	simm.s32 @p1 $0x1;
	p0 =	seq.s32 s7, s2  }
0x1e: {  	s7 =	smul.u32 @!p0 $0xF7A, s2;
	p2 =	seq.s32 @!p0 s5, $0x0  }
0x1f: {  	s9 =	smul.u32 $0xF7A, s1;
	s8 =	simm.s32 @!p0 $0x1BF5;
	p2 =	por !p2, p0  }
0x20: {  	[sflag:s8] =	ssyncset.s32 @!p0 $0xFFFFF086;
	s6 =	sadd.s32 @!p0 s3, s7;
	s7 =	simm.s32 @!p0 $0x108  }
0x21: {  	s3 =	sadd.s32 s3, s9;
	s6 =	sadd.s32 @!p0 $0x88, s6;
	s7 =	simm.s32 @p2 $0x1082  }
0x22: {  	[simem:s7], [sflag:s8] =	dma.local @!p0 [hbm:s6], $0xF7A  }
0x23: {  	s9 =	sor.u32 $0xD0000000, s2;
	s6 =	simm.s32 $0x108;
	_ =	swait.ge @!p0 [sflag:s8], $0x0  }
0x24: {  	s3 =	sadd.s32 $0x88, s3;
	s6 =	simm.s32 @!p1 $0x1082;
	[sflag:s4] =	ssyncset.s32 $0xFFFFF086  }
0x25: {  	[simem:s6], [sflag:s4] =	dma.local [hbm:s3], $0xF7A  }
0x26: {  	[smem:$0x3F9D] =	sst s1;
	(tag) =	ssettag s2;
	_ =	strace s9  }
0x27: {  	s1 =	sld [smem:$0x3FAD]  }
0x28: {  	s2 =	sld [smem:$0x3FAE]  }
0x29: {  	s4 =	sld [smem:$0x3FB0]  }
0x2a: {  	p0 =	seq.s32 s5, $0x0;
	s5 =	sld [smem:$0x3FB1]  }
0x2b: {  	s6 =	sld [smem:$0x3FB2]  }
0x2c: {  	s7 =	sld [smem:$0x3FB3]  }
0x2d: {  	s3 =	simm.s32 $0x108;
	s8 =	sld [smem:$0x3FB4]  }
0x2e: {  	s3 =	simm.s32 @!p0 $0x1082;
	s9 =	sld [smem:$0x3FB5]  }
0x2f: {  	lr =	sadd.s32 s0, s3;
	s0 =	sld [smem:$0x3FAC]  }
0x30: {  	s3 =	sld [smem:$0x3FAF]  }
0x31: {  	[smem:$0x3FB8] =	sst s10  }
0x32: {  	s10 =	sld [smem:$0x3FB6];
	_ =	sdelay $0x3  }
0x33: {  	p0 =	seq.s32 s10, $0x1;
	s10 =	sld [smem:$0x3FB8];
	_ =	sdelay $0x3  }
0x34: {  	[smem:$0x3FB8] =	sst s10  }
0x35: {  	s10 =	sld [smem:$0x3FB7];
	_ =	sdelay $0x3  }
0x36: {  	p1 =	seq.s32 s10, $0x1;
	s10 =	sld [smem:$0x3FB8];
	_ =	sdelay $0x3  }
0x37: {  	[smem:$0x3FB8] =	sst s10  }
0x38: {  	s10 =	sld [smem:$0x3FB9]  }
0x39: {  	_ = 	snop;
	(pc) =	sbr.ind lr, $3  }
0x3a: {  	_ = 	snop  }
0x3b: {  	_ = 	snop  }
0x3c: {  	p2 =	seq.s32 s10, $0x1;
	s10 =	sld [smem:$0x3FB8]  }
0x3d: {  	_ =	shalt  }
0x3e: {  	_ =	shalt  }
0x3f: {  	_ =	shalt  }
0x40: {  	_ =	shalt  }
0x41: {  	_ =	shalt  }
0x42: {  	_ =	shalt  }
0x43: {  	_ =	shalt  }
0x44: {  	_ =	shalt  }
0x45: {  	_ =	shalt  }
0x46: {  	_ =	shalt  }
0x47: {  	_ =	shalt  }
0x48: {  	_ =	shalt  }
0x49: {  	_ =	shalt  }
0x4a: {  	_ =	shalt  }
0x4b: {  	_ =	shalt  }
0x4c: {  	_ =	shalt  }
0x4d: {  	_ =	shalt  }
0x4e: {  	_ =	shalt  }
0x4f: {  	_ =	shalt  }
0x50: {  	_ =	shalt  }
0x51: {  	_ =	shalt  }
0x52: {  	_ =	shalt  }
0x53: {  	_ =	shalt  }
0x54: {  	_ =	shalt  }
0x55: {  	_ =	shalt  }
0x56: {  	_ =	shalt  }
0x57: {  	_ =	shalt  }
0x58: {  	_ =	shalt  }
0x59: {  	_ =	shalt  }
0x5a: {  	_ =	shalt  }
0x5b: {  	_ =	shalt  }
0x5c: {  	_ =	shalt  }
0x5d: {  	_ =	shalt  }
0x5e: {  	_ =	shalt  }
0x5f: {  	_ =	shalt  }
0x60: {  	_ =	shalt  }
0x61: {  	_ =	shalt  }
0x62: {  	_ =	shalt  }
0x63: {  	_ =	shalt  }
0x64: {  	_ =	shalt  }
0x65: {  	_ =	shalt  }
0x66: {  	_ =	shalt  }
0x67: {  	_ =	shalt  }
0x68: {  	_ =	shalt  }
0x69: {  	_ =	shalt  }
0x6a: {  	_ =	shalt  }
0x6b: {  	_ =	shalt  }
0x6c: {  	_ =	shalt  }
0x6d: {  	_ =	shalt  }
0x6e: {  	_ =	shalt  }
0x6f: {  	_ =	shalt  }
0x70: {  	_ =	shalt  }
0x71: {  	_ =	shalt  }
0x72: {  	_ =	shalt  }
0x73: {  	_ =	shalt  }
0x74: {  	_ =	shalt  }
0x75: {  	_ =	shalt  }
0x76: {  	_ =	shalt  }
0x77: {  	_ =	shalt  }
0x78: {  	_ =	shalt  }
0x79: {  	_ =	shalt  }
0x7a: {  	_ =	shalt  }
0x7b: {  	_ =	shalt  }
0x7c: {  	_ =	shalt  }
0x7d: {  	_ =	shalt  }
0x7e: {  	_ =	shalt  }
0x7f: {  	_ =	shalt  }
0x80: {  	_ =	shalt  }
0x81: {  	_ =	shalt  }
0x82: {  	_ =	shalt  }
0x83: {  	_ =	shalt  }
0x84: {  	_ =	shalt  }
0x85: {  	_ =	shalt  }
0x86: {  	_ =	shalt  }
0x87: {  	_ =	shalt  }
.Lfunc_end0:
.L_simem_size_0:
called_computation_lowered:
.L_overlay_start_0:
0x88: {  	s2 =	sld [smem:$0x3FD9]  }
0x89: {  	s3 =	sld [smem:$0x3FFE];
	_ =	sdelay $0x1  }
0x8a: {  	s1 =	srdreg.scid  }
0x8b: {  	s0 =	sand.u32 $0x1, s1  }
0x8c: {  	s16 =	sshll.u32 s0, $0xA;
	s2 =	sadd.s32 s3, s2  }
0x8d: {  	s2 =	sadd.s32 s2, s16  }
0x8e: {  	[smem:$0x3FC4] =	sst s2  }
0x8f: {  	_ = 	snop  }
0x90: {  	(tm) =	ssettm $0x1  }
0x91: {  	s17 =	sld [smem:$0x3FFB];
	_ =	sdelay $0x3  }
0x92: {  	_ =	strace s17  }
0x93: {  	s2 =	sld [smem:$0x3FFC];
	_ =	sdelay $0x3  }
0x94: {  	_ =	strace s2  }
0x95: {  	s2 =	sld [smem:$0x3FFD];
	_ =	sdelay $0x3  }
0x96: {  	_ =	strace s2  }
0x97: {  	_ =	strace $0x8FFFFFFF  }
0x98: {  	s18 =	sld [smem:$0x3FDB];
	_ =	sdelay $0x1  }
0x99: {  	s19 =	simm.s32 $_scs_section_size  }
0x9a: {  	s4 =	simm.s32 $_size__tile_overlayer_lowered;
	s5 =	simm.s32 $_tile_overlayer_lowered  }
0x9b: {  	s22 =	simm.s32 $0x1BFF;
	s21 =	sshll.u32 s5, $0x1;
	s2 =	sadd.s32 s19, s18  }
0x9c: {  	s6 =	simm.s32 $0x0;
	s20 =	sshll.u32 s4, $0x1;
	s4 =	sadd.s32 s21, s2  }
0x9d: {  	[timem:s6], [sflag:s22] =	dma.local [hbm:s4], s20  }
0x9e: {  	_ =	swait.ge [sflag:s22], s20  }
0x9f: {  	s3 =	ssub.s32 $0x0, s20;
	[sflag:s22] =	ssyncset.done $0x0  }
0xa0: {  	[sflag:s22] =	ssyncadd.s32 s3;
	_ =	sdelay $0x1  }
0xa1: {  	s23 =	simm.s32 $0x1B8B  }
0xa2: {  	_ =	swait.ge [sflag:s23], $0x1  }
0xa3: {  	[sflag:s23] =	ssyncset.done $0x0  }
0xa4: {  	s25 =	simm.s32 $0x1B8E;
	s24 =	sld [smem:$0x3FFE];
	[sflag:s23] =	ssyncadd.s32 $0xFFFFFFFF  }
0xa5: {  	s26 =	simm.s32 $execute0_lowered;
	[smem:$0x3FD2] =	sst s25  }
0xa6: {  	s4 =	sshll.u32 s26, $0x1;
	_ =	strace $0x80000046;
	[dreg:$0x1] =	wrdreg $0xFFFFFFFF  }
0xa7: {  	s28 =	simm.s32 $_size_execute0_lowered;
	s2 =	sadd.s32 s2, s4;
	[dreg:$0x0] =	wrdreg $0x0  }
0xa8: {  	s4 =	sshll.u32 s28, $0x1;
	[dreg:$0x2] =	wrdreg s2  }
0xa9: {  	[dreg:$0x3] =	wrdreg s4  }
0xaa: {  	[dreg:$0x4] =	wrdreg $0xC0  }
0xab: {  	_ =	task [dreg:s6], $0x5FFFF  }
0xac: {  	[dreg:$0x1] =	wrdreg $0xFFFFFFFF  }
0xad: {  	[dreg:$0x0] =	wrdreg $0x60  }
0xae: {  	[dreg:$0x2] =	wrdreg s24  }
0xaf: {  	[dreg:$0x3] =	wrdreg $0x9  }
0xb0: {  	_ =	task.clear_ibuf [dreg:s6], $0x4FFFF;
	_ =	strace $0x90000046  }
0xb1: {  	s29 =	simm.s32 $0x9;
	_ =	strace $0x80000048  }
0xb2: {  	_ =	swait.ge [sflag:s29], $0x1  }
0xb3: {  	[sflag:s29] =	ssyncadd.s32 $0xFFFFFFFF  }
0xb4: {  	_ =	strace $0x90000048  }
0xb5: {  	_ =	sfence  }
0xb6: {  	s30 =	sld [smem:$0x0];
	_ =	sdelay $0x2  }
0xb7: {  	s31 =	sshll.u32 s1, $0xD;
	s1 =	sshrl.u32 s1, $0x2  }
0xb8: {  	s3 =	sand.u32 $0x4000, s31;
	s1 =	sadd.s32 s1, s30  }
0xb9: {  	s0 =	sor.u32 s3, s0;
	s1 =	sshll.u32 s1, $0x11  }
0xba: {  	s0 =	sor.u32 s1, s0  }
0xbb: {  	s0 =	sadd.s32 $0x8F2B, s0  }
0xbc: {  	[sflag:s0] =	ssyncadd.remote.s32 $0x1  }
0xbd: {  	_ =	sfence.sel $0xFFFF  }
0xbe: {  	[dreg:$0x0] =	wrdreg $0xFFFFFFFF;
	(pc) =	sbr.abs _section_cstart, $3  }
0xbf: {  	[dreg:$0x1] =	wrdreg $0xFFFFFFFF  }
0xc0: {  	_ =	task.clear_ibuf [dreg:s6], $0x2FFFF;
	_ =	strace $0x9FFFFFFF  }
0xc1: {  	(tm) =	ssettm $0x7FFFFFFF  }
tec
execute0_lowered:
.L_overlay_start_1:
0x0: {  	(tag) =	ssettag $0x1  }
0x1: {  	s0 =	srdreg.scid  }
0x2: {  	s2 =	stileid.u32;
	s1 =	rddreg [dreg:$0x0]  }
0x3: {  	s7 =	simm.s32 $0x5;
	s8 =	simm.s32 $0x80;
	s10 =	simm.s32 $0x48  }
0x4: {  	s12 =	simm.s32 $0xC8;
	s13 =	simm.s32 $0x9610;
	s14 =	simm.s32 $0x148  }
0x5: {  	s15 =	simm.s32 $0xB610;
	s16 =	simm.s32 $0x190;
	s17 =	simm.s32 $0xC810  }
0x6: {  	s18 =	simm.s32 $0x210;
	s19 =	simm.s32 $0xE810;
	s20 =	simm.s32 $0xFA10  }
0x7: {  	s21 =	simm.s32 $0x11A10;
	s22 =	simm.s32 $0x1;
	s23 =	simm.s32 $0x2  }
0x8: {  	s24 =	simm.s32 $0x3;
	s25 =	simm.s32 $0x4;
	s26 =	simm.s32 $0x12C10  }
0x9: {  	s0 =	sand.u32 $0x1, s0;
	s3 =	sshll.u32 s2, $0x1;
	s2 =	simm.s32 $0x0  }
0xa: {  	s28 =	simm.s32 $0x0;
	s3 =	sor.u32 s0, s3;
	[smem:$0x7FF] =	sst s2  }
0xb: {  	s0 =	ssub.s32 $0x2, s0;
	s4 =	smul.u32 $0xC80, s3;
	_ =	strace $0x80000047  }
0xc: {  	s5 =	sshll.u32 s3, $0xA;
	s6 =	sshrl.u32 s0, $0x1;
	s3 =	sadd.s32 $0xF5C000, s1  }
0xd: {  	s0 =	ssub.s32 s0, s6;
	s4 =	sadd.s32 s4, s1;
	s1 =	sadd.s32 s5, s1  }
0xe: {  	s6 =	smax.u32 s0, $0x1;
	s4 =	sadd.s32 $0xC00, s4;
	s5 =	sadd.s32 $0x16FD200, s1  }
.LBB2_1:
0xf: {  	[tilespmem:s2], [sflag:$0x5] =	stream.linear.gather [hbm4b:s4+s2], $0x6400, $0x38;
	[tilespmem:$0x14C10] =	vst v63  }
0x10: {  	_ =	swait.ge [sflag:s7], $0x6400  }
0x11: {  	[sflag:s7] =	ssyncset.done $0x0  }
0x12: {  	s0 =	simm.s32 $0x6410;
	[sflag:s7] =	ssyncadd.s32 $0xFFFF9C00  }
0x13: {  	[tilespmem:s0], [sflag:$0x1] =	stream.indirect.gather [hbm4b:s3+s8], $0x40, s2, s8, $0xb8;
	[tilespmem:$0x14C10] =	vst v63  }
0x14: {  	s31 =	simm.s32 $0x8410  }
0x15: {  	[tilespmem:s31], [sflag:$0x1] =	stream.indirect.gather [hbm4b:s3+s10], $0x40, s8, s10, $0xb8;
	[tilespmem:$0x14C10] =	vst v63  }
0x16: {  	_ = 	snop  }
0x17: {  	[tilespmem:s13], [sflag:$0x2] =	stream.indirect.gather [hbm4b:s3+s8], $0x40, s12, s8, $0xb8;
	[tilespmem:$0x14C10] =	vst v63  }
0x18: {  	_ = 	snop  }
0x19: {  	[tilespmem:s15], [sflag:$0x2] =	stream.indirect.gather [hbm4b:s3+s10], $0x40, s14, s10, $0xb8;
	[tilespmem:$0x14C10] =	vst v63  }
0x1a: {  	_ = 	snop  }
0x1b: {  	[tilespmem:s17], [sflag:$0x3] =	stream.indirect.gather [hbm4b:s3+s8], $0x40, s16, s8, $0xb8;
	[tilespmem:$0x14C10] =	vst v63  }
0x1c: {  	s29 =	simm.s32 $0x0  }
0x1d: {  	[tilespmem:s19], [sflag:$0x3] =	stream.indirect.gather [hbm4b:s3+s10], $0x40, s18, s10, $0xb8;
	[tilespmem:$0x14C10] =	vst v63  }
.LBB2_2:
0x1e: {  	s30 =	sshllo.u32 s29, $0x2  }
0x1f: {  	s0 =	smul.u32 $0x320, s30;
	_ =	sdelay $0x1  }
0x20: {  	s0 =	sshra.s32 s0, $0x2  }
0x21: {  	[tilespmem:s20], [sflag:$0x4] =	stream.indirect.gather [hbm4b:s3+s8], $0x40, s0, s8, $0xb8;
	[tilespmem:$0x14C10] =	vst v63  }
0x22: {  	s0 =	sadd.s32 $0x80, s0  }
0x23: {  	[tilespmem:s21], [sflag:$0x4] =	stream.indirect.gather [hbm4b:s3+s10], $0x40, s0, s10, $0xb8;
	[tilespmem:$0x14C10] =	vst v63  }
0x24: {  	_ =	swait.ge [sflag:s22], $0x2000  }
0x25: {  	[sflag:s22] =	ssyncset.done $0x0  }
0x26: {  	[sflag:s22] =	ssyncadd.s32 $0xFFFFE000  }
0x27: {  	_ =	swait.ge [sflag:s22], $0x1200  }
0x28: {  	[sflag:s22] =	ssyncset.done $0x0  }
0x29: {  	s31 =	simm.s32 $0x0;
	[sflag:s22] =	ssyncadd.s32 $0xFFFFEE00  }
0x2a: {  	v1 =	vld [tilespmem:s31+$0x6440]  }
0x2b: {  	v3 =	vld [tilespmem:s31+$0x6410]  }
0x2c: {  	v0 =	vimm.f32 $0.0e+00;
	v4 =	vld [tilespmem:s31+$0x6420]  }
0x2d: {  	s1 =	simm.s32 $0x100;
	v7 =	vimm.f32 $0.0e+00;
	v6 =	vimm.f32 $0.0e+00;
	v5 =	vimm.f32 $0.0e+00;
	v2 =	vld [tilespmem:s31+$0x6430]  }
.LBB2_3:
0x2e: {  	p0 =	sne.s32 s1, $0xC700  }
.Ltmp0:
0x2f: {  	s0 =	sshra.s32 s1, $0x2;
	s1 =	sadd.s32 $0x100, s1;
	v0 =	vadd.f32 v1, v0;
	(pc) =	sbr.rel @p0 .LBB2_3-.Ltmp0, $4  }
0x30: {  	v1 =	vld [tilespmem:s0+$0x6440];
	v7 =	vadd.f32 v3, v7  }
0x31: {  	v3 =	vld [tilespmem:s0+$0x6410];
	v6 =	vadd.f32 v4, v6  }
0x32: {  	v4 =	vld [tilespmem:s0+$0x6420];
	v5 =	vadd.f32 v2, v5  }
0x33: {  	v2 =	vld [tilespmem:s0+$0x6430]  }
0x34: {  	_ = 	snop  }
0x35: {  	s0 =	sshll.u32 s29, $0x8;
	v0 =	vadd.f32 v1, v0  }
0x36: {  	p0 =	seq.s32 s29, $0x1F;
	s31 =	sand.u32 $0x3FFFFF00, s0;
	v3 =	vadd.f32 v3, v7  }
0x37: {  	s0 =	smul.u32 @!p0 $0xC80, s29;
	v4 =	vadd.f32 v4, v6;
	[tilespmem:s31+$0x12C40] =	vst v0  }
0x38: {  	v2 =	vadd.f32 v2, v5;
	[tilespmem:s31+$0x12C10] =	vst v3  }
0x39: {  	s1 =	sshra.s32 @!p0 s0, $0x2;
	[tilespmem:s31+$0x12C20] =	vst v4  }
0x3a: {  	s9 =	simm.s32 @!p0 $0x80;
	s11 =	simm.s32 @!p0 $0x6410;
	s0 =	sadd.s32 @!p0 $0x320, s1;
	[tilespmem:s31+$0x12C30] =	vst v2  }
0x3b: {  	[tilespmem:s11], [sflag:$0x1] =	stream.indirect.gather @!p0 [hbm4b:s3+s9], $0x40, s0, s9, $0xb8;
	[tilespmem:$0x14C10] =	vst v63  }
0x3c: {  	s0 =	sadd.s32 @!p0 $0x3A0, s1;
	s9 =	simm.s32 @!p0 $0x48;
	s11 =	simm.s32 @!p0 $0x8410  }
0x3d: {  	[tilespmem:s11], [sflag:$0x1] =	stream.indirect.gather @!p0 [hbm4b:s3+s9], $0x40, s0, s9, $0xb8;
	[tilespmem:$0x14C10] =	vst v63  }
0x3e: {  	_ =	swait.ge [sflag:s23], $0x2000  }
0x3f: {  	[sflag:s23] =	ssyncset.done $0x0  }
0x40: {  	[sflag:s23] =	ssyncadd.s32 $0xFFFFE000  }
0x41: {  	_ =	swait.ge [sflag:s23], $0x1200  }
0x42: {  	[sflag:s23] =	ssyncset.done $0x0  }
0x43: {  	s11 =	simm.s32 $0x0;
	[sflag:s23] =	ssyncadd.s32 $0xFFFFEE00  }
0x44: {  	v1 =	vld [tilespmem:s11+$0x9640]  }
0x45: {  	v2 =	vld [tilespmem:s11+$0x9610]  }
0x46: {  	v7 =	vimm.f32 $0.0e+00;
	v3 =	vld [tilespmem:s11+$0x9620]  }
0x47: {  	v0 =	vimm.f32 $0.0e+00;
	v6 =	vimm.f32 $0.0e+00;
	v5 =	vimm.f32 $0.0e+00;
	s0 =	simm.s32 $0x100;
	v4 =	vld [tilespmem:s11+$0x9630]  }
.LBB2_5:
0x48: {  	p1 =	sne.s32 s0, $0xC700  }
.Ltmp1:
0x49: {  	s9 =	sshra.s32 s0, $0x2;
	s0 =	sadd.s32 $0x100, s0;
	v0 =	vadd.f32 v1, v0;
	(pc) =	sbr.rel @p1 .LBB2_5-.Ltmp1, $4  }
0x4a: {  	v1 =	vld [tilespmem:s9+$0x9640];
	v5 =	vadd.f32 v2, v5  }
0x4b: {  	v2 =	vld [tilespmem:s9+$0x9610];
	v6 =	vadd.f32 v3, v6  }
0x4c: {  	v3 =	vld [tilespmem:s9+$0x9620];
	v7 =	vadd.f32 v4, v7  }
0x4d: {  	v4 =	vld [tilespmem:s9+$0x9630]  }
0x4e: {  	_ = 	snop  }
0x4f: {  	v0 =	vadd.f32 v1, v0  }
0x50: {  	v2 =	vadd.f32 v2, v5  }
0x51: {  	v3 =	vadd.f32 v3, v6;
	[tilespmem:s31+$0x12C80] =	vst v0  }
0x52: {  	v4 =	vadd.f32 v4, v7;
	[tilespmem:s31+$0x12C50] =	vst v2  }
0x53: {  	[tilespmem:s31+$0x12C60] =	vst v3  }
0x54: {  	s0 =	sadd.s32 @!p0 $0x3E8, s1;
	s9 =	simm.s32 @!p0 $0x80;
	s11 =	simm.s32 @!p0 $0x9610;
	[tilespmem:s31+$0x12C70] =	vst v4  }
0x55: {  	[tilespmem:s11], [sflag:$0x2] =	stream.indirect.gather @!p0 [hbm4b:s3+s9], $0x40, s0, s9, $0xb8;
	[tilespmem:$0x14C10] =	vst v63  }
0x56: {  	s0 =	sadd.s32 @!p0 $0x468, s1;
	s9 =	simm.s32 @!p0 $0x48;
	s11 =	simm.s32 @!p0 $0xB610  }
0x57: {  	[tilespmem:s11], [sflag:$0x2] =	stream.indirect.gather @!p0 [hbm4b:s3+s9], $0x40, s0, s9, $0xb8;
	[tilespmem:$0x14C10] =	vst v63  }
0x58: {  	_ =	swait.ge [sflag:s24], $0x2000  }
0x59: {  	[sflag:s24] =	ssyncset.done $0x0  }
0x5a: {  	[sflag:s24] =	ssyncadd.s32 $0xFFFFE000  }
0x5b: {  	_ =	swait.ge [sflag:s24], $0x1200  }
0x5c: {  	[sflag:s24] =	ssyncset.done $0x0  }
0x5d: {  	s11 =	simm.s32 $0x0;
	[sflag:s24] =	ssyncadd.s32 $0xFFFFEE00  }
0x5e: {  	v1 =	vld [tilespmem:s11+$0xC840]  }
0x5f: {  	v2 =	vld [tilespmem:s11+$0xC810]  }
0x60: {  	v5 =	vimm.f32 $0.0e+00;
	v3 =	vld [tilespmem:s11+$0xC820]  }
0x61: {  	v0 =	vimm.f32 $0.0e+00;
	v6 =	vimm.f32 $0.0e+00;
	v7 =	vimm.f32 $0.0e+00;
	s0 =	simm.s32 $0x100;
	v4 =	vld [tilespmem:s11+$0xC830]  }
.LBB2_7:
0x62: {  	p1 =	sne.s32 s0, $0xC700  }
.Ltmp2:
0x63: {  	s9 =	sshra.s32 s0, $0x2;
	s0 =	sadd.s32 $0x100, s0;
	v0 =	vadd.f32 v1, v0;
	(pc) =	sbr.rel @p1 .LBB2_7-.Ltmp2, $4  }
0x64: {  	v1 =	vld [tilespmem:s9+$0xC840];
	v5 =	vadd.f32 v2, v5  }
0x65: {  	v2 =	vld [tilespmem:s9+$0xC810];
	v6 =	vadd.f32 v3, v6  }
0x66: {  	v3 =	vld [tilespmem:s9+$0xC820];
	v7 =	vadd.f32 v4, v7  }
0x67: {  	v4 =	vld [tilespmem:s9+$0xC830]  }
0x68: {  	_ = 	snop  }
0x69: {  	v0 =	vadd.f32 v1, v0  }
0x6a: {  	v2 =	vadd.f32 v2, v5  }
0x6b: {  	v3 =	vadd.f32 v3, v6;
	[tilespmem:s31+$0x12CC0] =	vst v0  }
0x6c: {  	v4 =	vadd.f32 v4, v7;
	[tilespmem:s31+$0x12C90] =	vst v2  }
0x6d: {  	[tilespmem:s31+$0x12CA0] =	vst v3  }
0x6e: {  	s0 =	sadd.s32 @!p0 $0x4B0, s1;
	s9 =	simm.s32 @!p0 $0x80;
	s11 =	simm.s32 @!p0 $0xC810;
	[tilespmem:s31+$0x12CB0] =	vst v4  }
0x6f: {  	[tilespmem:s11], [sflag:$0x3] =	stream.indirect.gather @!p0 [hbm4b:s3+s9], $0x40, s0, s9, $0xb8;
	[tilespmem:$0x14C10] =	vst v63  }
0x70: {  	s0 =	sadd.s32 @!p0 $0x530, s1;
	s1 =	simm.s32 @!p0 $0x48;
	s9 =	simm.s32 @!p0 $0xE810  }
0x71: {  	[tilespmem:s9], [sflag:$0x3] =	stream.indirect.gather @!p0 [hbm4b:s3+s1], $0x40, s0, s1, $0xb8;
	[tilespmem:$0x14C10] =	vst v63  }
0x72: {  	_ =	swait.ge [sflag:s25], $0x2000  }
0x73: {  	[sflag:s25] =	ssyncset.done $0x0  }
0x74: {  	[sflag:s25] =	ssyncadd.s32 $0xFFFFE000  }
0x75: {  	_ =	swait.ge [sflag:s25], $0x1200  }
0x76: {  	[sflag:s25] =	ssyncset.done $0x0  }
0x77: {  	s31 =	simm.s32 $0x0;
	[sflag:s25] =	ssyncadd.s32 $0xFFFFEE00  }
0x78: {  	v1 =	vld [tilespmem:s31+$0xFA40]  }
0x79: {  	v2 =	vld [tilespmem:s31+$0xFA10]  }
0x7a: {  	v5 =	vimm.f32 $0.0e+00;
	v3 =	vld [tilespmem:s31+$0xFA20]  }
0x7b: {  	v0 =	vimm.f32 $0.0e+00;
	v6 =	vimm.f32 $0.0e+00;
	v7 =	vimm.f32 $0.0e+00;
	s0 =	simm.s32 $0x100;
	v4 =	vld [tilespmem:s31+$0xFA30]  }
.LBB2_9:
0x7c: {  	p0 =	sne.s32 s0, $0xC700  }
.Ltmp3:
0x7d: {  	s1 =	sshra.s32 s0, $0x2;
	s0 =	sadd.s32 $0x100, s0;
	v0 =	vadd.f32 v1, v0;
	(pc) =	sbr.rel @p0 .LBB2_9-.Ltmp3, $4  }
0x7e: {  	v1 =	vld [tilespmem:s1+$0xFA40];
	v7 =	vadd.f32 v2, v7  }
0x7f: {  	v2 =	vld [tilespmem:s1+$0xFA10];
	v6 =	vadd.f32 v3, v6  }
0x80: {  	v3 =	vld [tilespmem:s1+$0xFA20];
	v5 =	vadd.f32 v4, v5  }
0x81: {  	v4 =	vld [tilespmem:s1+$0xFA30]  }
0x82: {  	s29 =	sadd.s32 $0x1, s29  }
0x83: {  	s0 =	sshll.u32 s30, $0x6;
	v0 =	vadd.f32 v1, v0;
	p0 =	sne.s32 s29, $0x20  }
.Ltmp4:
0x84: {  	s0 =	sand.u32 $0x3FFFFFC0, s0;
	v2 =	vadd.f32 v2, v7;
	(pc) =	sbr.rel @p0 .LBB2_2-.Ltmp4, $4  }
0x85: {  	v3 =	vadd.f32 v3, v6;
	[tilespmem:s0+$0x12C40] =	vst v0  }
0x86: {  	v4 =	vadd.f32 v4, v5;
	[tilespmem:s0+$0x12C10] =	vst v2  }
0x87: {  	[tilespmem:s0+$0x12C20] =	vst v3  }
0x88: {  	[tilespmem:s0+$0x12C30] =	vst v4  }
0x89: {  	s28 =	sadd.s32 $0x1, s28  }
0x8a: {  	p0 =	sne.s32 s28, s6  }
.Ltmp5:
0x8b: {  	_ = 	snop;
	(pc) =	sbr.rel @p0 .LBB2_1-.Ltmp5, $4  }
0x8c: {  	[hbm4b:s5+s2] =	stream.linear.scatter [tilespmem:s26], [sflag:$0x5], $0x2000, $0x38;
	[tilespmem:$0x14C10] =	vst v63  }
0x8d: {  	_ =	swait.ge [sflag:s7], $0x2000  }
0x8e: {  	[sflag:s7] =	ssyncset.done $0x0  }
0x8f: {  	[sflag:s7] =	ssyncadd.s32 $0xFFFFE000  }
0x90: {  	_ =	sfence.sel $0x180000  }
0x91: {  	[bflag:$0x0] =	sbarrier.arrive $0xFFFF  }
0x92: {  	_ =	strace $0x90000047  }
0x93: {  	s0 =	stileid.u32;
	[bflag:$0x2] =	sbarrier.arrive $0xFFFF  }
0x94: {  	p0 =	sne.s32 s0, $0x0;
	s0 =	rddreg [dreg:$0x1]  }
0x95: {  	s0 =	sadd.s32 @!p0 $0x100000, s0  }
0x96: {  	[sflag:s0] =	ssyncadd.tile.s32 @!p0 $0x1;
	_ =	shalt  }
.Lfunc_end2:
_tile_overlayer_lowered:
.L_overlay_start_2:
0x97: {  	(tag) =	ssettag $0x2  }
0x98: {  	s0 =	rddreg [dreg:$0x0];
	s2 =	stileid.u32  }
0x99: {  	s1 =	rddreg [dreg:$0x1];
	p0 =	sne.s32 s2, $0x0  }
0x9a: {  	s3 =	rddreg [dreg:$0x2];
	[bflag:$0x3] =	sbarrier.arrive $0xFFFF;
	s2 =	simm.s32 @!p0 $0x1C05  }
0x9b: {  	[timem:s3], [sflag:s2] =	dma.local @!p0 [hbm:s0], s1  }
0x9c: {  	s0 =	simm.s32 @!p0 $0x5  }
0x9d: {  	_ =	swait.ge @!p0 [sflag:s0], s1  }
0x9e: {  	s1 =	ssub.s32 @!p0 $0x0, s1;
	[sflag:s0] =	ssyncset.done @!p0 $0x0  }
0x9f: {  	[sflag:s0] =	ssyncadd.s32 @!p0 s1  }
0xa0: {  	[bflag:$0x3] =	sbarrier.arrive $0xFFFF  }
0xa1: {  	_ =	shalt  }

</sc_bundles>
